<compile_context>
chip_gen: v7x
topology: tpu7x:2x2x1
jax: 0.10.2.dev20260603
libtpu: 0.0.44.dev20260713+nightly
codegen_flags: <defaults>
</compile_context>

<pallas_src>
import jax
import jax.numpy as jnp
import numpy as np
from jax import lax
from jax.experimental import pallas as pl
from jax.experimental.pallas import tpu as pltpu
from jax.experimental.pallas import tpu_sc as plsc

_K = 16
_EPS = float(np.finfo(np.float32).tiny)
_ROWS = 64
_COLS = 4096
_L = 16
_NSLICES = _COLS // _L
_NCHUNKS = _NSLICES // _L


def _sc_body(scores_hbm, g_hbm, out_hbm, sc_v, g_v, w_v, khot_v, out_v, m_v):
    wid = lax.axis_index("c") * 16 + lax.axis_index("s")
    r0 = wid * 2

    pltpu.sync_copy(scores_hbm.at[pl.ds(r0, 2)], sc_v)
    pltpu.sync_copy(g_hbm.at[pl.ds(r0, 2)], g_v)

    zero16 = jnp.zeros((_L,), jnp.float32)
    iota_i = lax.iota(jnp.int32, _L)

    @plsc.parallel_loop(0, _NSLICES, unroll=4, carry=(zero16, zero16))
    def _init(i, accs):
        a0, a1 = accs
        sl = pl.ds(i * _L, _L)
        w0 = jnp.exp(sc_v[0, sl] + g_v[0, sl])
        w1 = jnp.exp(sc_v[1, sl] + g_v[1, sl])
        w_v[0, sl] = w0
        w_v[1, sl] = w1
        khot_v[0, sl] = zero16
        khot_v[1, sl] = zero16
        out_v[0, sl] = zero16
        out_v[1, sl] = zero16
        return a0 + w0, a1 + w1

    a0, a1 = _init
    sums = (jnp.sum(a0), jnp.sum(a1))

    def round_body(t, sums):
        s0, s1 = sums
        inv0 = 1.0 / jnp.broadcast_to(s0, (_L,))
        inv1 = 1.0 / jnp.broadcast_to(s1, (_L,))

        @plsc.parallel_loop(0, _NSLICES, unroll=4, carry=(zero16, zero16))
        def _round(i, accs):
            a0, a1 = accs
            sl = pl.ds(i * _L, _L)
            w0 = w_v[0, sl]
            w1 = w_v[1, sl]
            p0 = w0 * inv0
            p1 = w1 * inv1
            khot_v[0, sl] = khot_v[0, sl] + p0
            khot_v[1, sl] = khot_v[1, sl] + p1
            wn0 = w0 * jnp.maximum(1.0 - p0, _EPS)
            wn1 = w1 * jnp.maximum(1.0 - p1, _EPS)
            w_v[0, sl] = wn0
            w_v[1, sl] = wn1
            return a0 + wn0, a1 + wn1

        a0, a1 = _round
        return jnp.sum(a0), jnp.sum(a1)

    lax.fori_loop(0, _K, round_body, sums)

    for r in range(2):
        rfull = jnp.full((_L,), r, jnp.int32)

        @plsc.parallel_loop(0, _NCHUNKS)
        def _mbuild(b):
            acc = jnp.full((_L,), -1.0, jnp.float32)
            for rr in range(_L):
                col = iota_i * _L + b * 256 + rr
                acc = jnp.maximum(acc, plsc.load_gather(khot_v, [rfull, col]))
            m_v[r, pl.ds(b * _L, _L)] = acc

        def pick_body(p, _):
            def mmax_body(j, acc):
                return jnp.maximum(acc, m_v[r, pl.ds(j * _L, _L)])

            macc = lax.fori_loop(0, _NCHUNKS, mmax_body,
                                 jnp.full((_L,), -1.0, jnp.float32))
            tmax = jnp.max(macc)

            def sidx_body(j, acc):
                ch = m_v[r, pl.ds(j * _L, _L)]
                cand = jnp.where(ch == tmax, iota_i + j * _L, _NSLICES)
                return jnp.minimum(acc, cand)

            sacc = lax.fori_loop(0, _NCHUNKS, sidx_body,
                                 jnp.full((_L,), _NSLICES, jnp.int32))
            sstar = jnp.min(sacc)
            off = sstar * _L
            slv = khot_v[r, pl.ds(off, _L)]
            lstar = jnp.min(jnp.where(slv == tmax, iota_i, _L))
            sel = iota_i == lstar
            tmaxv = jnp.broadcast_to(tmax, (_L,))
            out_v[r, pl.ds(off, _L)] = jnp.where(
                sel, (1.0 - tmaxv) + tmaxv, out_v[r, pl.ds(off, _L)])
            nsl = jnp.where(sel, -1.0, slv)
            khot_v[r, pl.ds(off, _L)] = nsl
            nmax = jnp.max(nsl)
            bidx = sstar // _L
            moff = bidx * _L
            m_v[r, pl.ds(moff, _L)] = jnp.where(
                iota_i == (sstar - moff), nmax, m_v[r, pl.ds(moff, _L)])
            return 0

        lax.fori_loop(0, _K, pick_body, 0)

    pltpu.sync_copy(out_v, out_hbm.at[pl.ds(r0, 2)])


@jax.jit
def kernel(scores, g):
    f = pl.kernel(
        _sc_body,
        out_type=jax.ShapeDtypeStruct((_ROWS, _COLS), jnp.float32),
        mesh=plsc.VectorSubcoreMesh(core_axis_name="c", subcore_axis_name="s"),
        compiler_params=pltpu.CompilerParams(needs_layout_passes=False),
        scratch_types=[
            pltpu.VMEM((2, _COLS), jnp.float32),
            pltpu.VMEM((2, _COLS), jnp.float32),
            pltpu.VMEM((2, _COLS), jnp.float32),
            pltpu.VMEM((2, _COLS), jnp.float32),
            pltpu.VMEM((2, _COLS), jnp.float32),
            pltpu.VMEM((2, _NSLICES), jnp.float32),
        ],
    )
    return f(scores, g)

# --- scband reference (transcript-rebuilt; emitter-appended) ---
"""Pipeline reference for scband-subset-operator-28286654611518 (READ-ONLY COPY).

The authoritative reference and input builder live on the scoring server;
editing this copy changes nothing except your own understanding.
"""

import jax, jax.numpy as jnp
import numpy as np

K = 16
TAU = 1.0
EPS = float(np.finfo(np.float32).tiny)


def setup_inputs(seed: int = 0):
    key = jax.random.key(seed)
    k1, k2 = jax.random.split(key)
    scores = jax.random.normal(k1, (64, 4096), dtype=jnp.float32)
    # Gumbel noise sampled once (materialized as an input so the reference is deterministic)
    u = jax.random.uniform(k2, (64, 4096), dtype=jnp.float32, minval=1e-20, maxval=1.0)
    g = -jnp.log(-jnp.log(u))
    return {"scores": scores, "g": g}


def reference(scores, g):
    # scores = scores + Gumbel noise
    s = scores + g
    khot = jnp.zeros_like(s)
    onehot_approx = jnp.zeros_like(s)
    for _ in range(K):
        khot_mask = jnp.maximum(1.0 - onehot_approx, EPS)
        s = s + jnp.log(khot_mask)
        onehot_approx = jax.nn.softmax(s / TAU, axis=1)
        khot = khot + onehot_approx
    # hard=True: straight-through hard k-hot via top-k + scatter-overwrite
    _, ind = jax.lax.top_k(khot, K)
    rows = jnp.arange(khot.shape[0])[:, None]
    khot_hard = jnp.zeros_like(khot).at[rows, ind].set(1.0)
    res = khot_hard - jax.lax.stop_gradient(khot) + khot
    return res

if __name__ == "__main__":
    import jax
    _d = setup_inputs()
    print(jax.jit(kernel)(*tuple(_d.values())))

</pallas_src>

<mosaic_0001>
#map = affine_map<(d0, d1) -> (0, 0)>
module attributes {stable_mosaic.version = 14 : i64} {
  func.func @_sc_body(%arg0: i32, %arg1: i32, %arg2: memref<64x4096xf32, #tpu.memory_space<hbm>>, %arg3: memref<64x4096xf32, #tpu.memory_space<hbm>>, %arg4: memref<64x4096xf32, #tpu.memory_space<hbm>>, %arg5: memref<2x4096xf32, #tpu.memory_space<vmem>>, %arg6: memref<2x4096xf32, #tpu.memory_space<vmem>>, %arg7: memref<2x4096xf32, #tpu.memory_space<vmem>>, %arg8: memref<2x4096xf32, #tpu.memory_space<vmem>>, %arg9: memref<2x4096xf32, #tpu.memory_space<vmem>>, %arg10: memref<2x256xf32, #tpu.memory_space<vmem>>) attributes {dimension_semantics = [#tpu.dimension_semantics<core_parallel>, #tpu.dimension_semantics<subcore_parallel>], iteration_bounds = array<i64: 2, 16>, scalar_prefetch = 0 : i64, scratch_operands = 6 : i64, tpu.core_type = #tpu.core_type<sc_vector_subcore>, window_params = [{transform_indices = #map}, {transform_indices = #map}, {transform_indices = #map}]} {
    %mul3A = arith.constant 16 : i32
    %mul3A_0 = arith.muli %arg0, %mul3A : i32
    %add3A = arith.addi %mul3A_0, %arg1 : i32
    %mul3A_1 = arith.constant 2 : i32
    %mul3A_2 = arith.muli %add3A, %mul3A_1 : i32
    "tpu.region"() ({
      %run_scoped3A = tpu.sem_alloc : memref<!tpu.dma_semaphore, #tpu.memory_space<semaphore_mem>>
      %dma_start3A = arith.constant 0 : i32
      %dma_start3A_43 = tpu.memref_slice %arg2[%mul3A_2, %dma_start3A] : memref<64x4096xf32, #tpu.memory_space<hbm>> -> memref<2x4096xf32, #tpu.memory_space<hbm>>
      %dma_start3A_44 = arith.constant 0 : i32
      %dma_start3A_45 = tpu.memref_slice %arg2[%mul3A_2, %dma_start3A_44] : memref<64x4096xf32, #tpu.memory_space<hbm>> -> memref<2x4096xf32, #tpu.memory_space<hbm>>
      tpu.enqueue_dma source(%dma_start3A_45 : memref<2x4096xf32, #tpu.memory_space<hbm>>) target(%arg5 : memref<2x4096xf32, #tpu.memory_space<vmem>>) target_semaphore(%run_scoped3A : memref<!tpu.dma_semaphore, #tpu.memory_space<semaphore_mem>>)
      %dma_wait3A = arith.constant 0 : i32
      %dma_wait3A_46 = tpu.memref_slice %arg2[%mul3A_2, %dma_wait3A] : memref<64x4096xf32, #tpu.memory_space<hbm>> -> memref<2x4096xf32, #tpu.memory_space<hbm>>
      %dma_wait3A_47 = arith.constant 0 : i32
      %dma_wait3A_48 = tpu.memref_slice %arg2[%mul3A_2, %dma_wait3A_47] : memref<64x4096xf32, #tpu.memory_space<hbm>> -> memref<2x4096xf32, #tpu.memory_space<hbm>>
      tpu.wait_dma2 semaphore(%run_scoped3A : memref<!tpu.dma_semaphore, #tpu.memory_space<semaphore_mem>>) src(%dma_wait3A_48 : memref<2x4096xf32, #tpu.memory_space<hbm>>) dst(%arg5 : memref<2x4096xf32, #tpu.memory_space<vmem>>)
      tpu.yield
    }) : () -> ()
    "tpu.region"() ({
      %run_scoped3A = tpu.sem_alloc : memref<!tpu.dma_semaphore, #tpu.memory_space<semaphore_mem>>
      %dma_start3A = arith.constant 0 : i32
      %dma_start3A_43 = tpu.memref_slice %arg3[%mul3A_2, %dma_start3A] : memref<64x4096xf32, #tpu.memory_space<hbm>> -> memref<2x4096xf32, #tpu.memory_space<hbm>>
      %dma_start3A_44 = arith.constant 0 : i32
      %dma_start3A_45 = tpu.memref_slice %arg3[%mul3A_2, %dma_start3A_44] : memref<64x4096xf32, #tpu.memory_space<hbm>> -> memref<2x4096xf32, #tpu.memory_space<hbm>>
      tpu.enqueue_dma source(%dma_start3A_45 : memref<2x4096xf32, #tpu.memory_space<hbm>>) target(%arg6 : memref<2x4096xf32, #tpu.memory_space<vmem>>) target_semaphore(%run_scoped3A : memref<!tpu.dma_semaphore, #tpu.memory_space<semaphore_mem>>)
      %dma_wait3A = arith.constant 0 : i32
      %dma_wait3A_46 = tpu.memref_slice %arg3[%mul3A_2, %dma_wait3A] : memref<64x4096xf32, #tpu.memory_space<hbm>> -> memref<2x4096xf32, #tpu.memory_space<hbm>>
      %dma_wait3A_47 = arith.constant 0 : i32
      %dma_wait3A_48 = tpu.memref_slice %arg3[%mul3A_2, %dma_wait3A_47] : memref<64x4096xf32, #tpu.memory_space<hbm>> -> memref<2x4096xf32, #tpu.memory_space<hbm>>
      tpu.wait_dma2 semaphore(%run_scoped3A : memref<!tpu.dma_semaphore, #tpu.memory_space<semaphore_mem>>) src(%dma_wait3A_48 : memref<2x4096xf32, #tpu.memory_space<hbm>>) dst(%arg6 : memref<2x4096xf32, #tpu.memory_space<vmem>>)
      tpu.yield
    }) : () -> ()
    %broadcast_in_dim3A = arith.constant 0.000000e+00 : f32
    %broadcast_in_dim3A_3 = vector.broadcast %broadcast_in_dim3A : f32 to vector<16xf32>
    %iota3A = tpu.iota {dimensions = array<i32: 0>} : vector<16xi32>
    %parallel_loop3A = arith.constant 0 : i32
    %parallel_loop3A_4 = arith.constant 256 : i32
    %parallel_loop3A_5 = arith.constant 1 : i32
    %parallel_loop3A_6:2 = scf.for %parallel_loop3A_43 = %parallel_loop3A to %parallel_loop3A_4 step %parallel_loop3A_5 iter_args(%parallel_loop3A_44 = %broadcast_in_dim3A_3, %parallel_loop3A_45 = %broadcast_in_dim3A_3) -> (vector<16xf32>, vector<16xf32>)  : i32 {
      %parallel_loop3A_46 = arith.constant 16 : i32
      %parallel_loop3A_47 = arith.muli %parallel_loop3A_43, %parallel_loop3A_46 : i32
      %parallel_loop3A_48 = arith.constant 0 : i32
      %parallel_loop3A_49 = arith.index_cast %parallel_loop3A_48 : i32 to index
      %parallel_loop3A_50 = arith.index_cast %parallel_loop3A_47 : i32 to index
      %parallel_loop3A_51 = tpu.vector_load %arg5[%parallel_loop3A_49, %parallel_loop3A_50] {strides = array<i32>} : memref<2x4096xf32, #tpu.memory_space<vmem>>, vector<16xf32>,
      %parallel_loop3A_52 = arith.constant 0 : i32
      %parallel_loop3A_53 = arith.index_cast %parallel_loop3A_52 : i32 to index
      %parallel_loop3A_54 = arith.index_cast %parallel_loop3A_47 : i32 to index
      %parallel_loop3A_55 = tpu.vector_load %arg6[%parallel_loop3A_53, %parallel_loop3A_54] {strides = array<i32>} : memref<2x4096xf32, #tpu.memory_space<vmem>>, vector<16xf32>,
      %parallel_loop3A_56 = arith.addf %parallel_loop3A_51, %parallel_loop3A_55 : vector<16xf32>
      %parallel_loop3A_57 = math.exp %parallel_loop3A_56 : vector<16xf32>
      %parallel_loop3A_58 = arith.constant 1 : i32
      %parallel_loop3A_59 = arith.index_cast %parallel_loop3A_58 : i32 to index
      %parallel_loop3A_60 = arith.index_cast %parallel_loop3A_47 : i32 to index
      %parallel_loop3A_61 = tpu.vector_load %arg5[%parallel_loop3A_59, %parallel_loop3A_60] {strides = array<i32>} : memref<2x4096xf32, #tpu.memory_space<vmem>>, vector<16xf32>,
      %parallel_loop3A_62 = arith.constant 1 : i32
      %parallel_loop3A_63 = arith.index_cast %parallel_loop3A_62 : i32 to index
      %parallel_loop3A_64 = arith.index_cast %parallel_loop3A_47 : i32 to index
      %parallel_loop3A_65 = tpu.vector_load %arg6[%parallel_loop3A_63, %parallel_loop3A_64] {strides = array<i32>} : memref<2x4096xf32, #tpu.memory_space<vmem>>, vector<16xf32>,
      %parallel_loop3A_66 = arith.addf %parallel_loop3A_61, %parallel_loop3A_65 : vector<16xf32>
      %parallel_loop3A_67 = math.exp %parallel_loop3A_66 : vector<16xf32>
      %parallel_loop3A_68 = arith.constant 0 : i32
      %parallel_loop3A_69 = arith.index_cast %parallel_loop3A_68 : i32 to index
      %parallel_loop3A_70 = arith.index_cast %parallel_loop3A_47 : i32 to index
      %parallel_loop3A_71 = tpu.vector_load %arg7[%parallel_loop3A_69, %parallel_loop3A_70] {strides = array<i32>} : memref<2x4096xf32, #tpu.memory_space<vmem>>, vector<16xf32>,
      tpu.vector_store %arg7[%parallel_loop3A_69, %parallel_loop3A_70], %parallel_loop3A_57 {strides = array<i32>} : memref<2x4096xf32, #tpu.memory_space<vmem>>, vector<16xf32>,
      %parallel_loop3A_72 = arith.constant 1 : i32
      %parallel_loop3A_73 = arith.index_cast %parallel_loop3A_72 : i32 to index
      %parallel_loop3A_74 = arith.index_cast %parallel_loop3A_47 : i32 to index
      %parallel_loop3A_75 = tpu.vector_load %arg7[%parallel_loop3A_73, %parallel_loop3A_74] {strides = array<i32>} : memref<2x4096xf32, #tpu.memory_space<vmem>>, vector<16xf32>,
      tpu.vector_store %arg7[%parallel_loop3A_73, %parallel_loop3A_74], %parallel_loop3A_67 {strides = array<i32>} : memref<2x4096xf32, #tpu.memory_space<vmem>>, vector<16xf32>,
      %parallel_loop3A_76 = arith.constant 0 : i32
      %parallel_loop3A_77 = arith.index_cast %parallel_loop3A_76 : i32 to index
      %parallel_loop3A_78 = arith.index_cast %parallel_loop3A_47 : i32 to index
      %parallel_loop3A_79 = tpu.vector_load %arg8[%parallel_loop3A_77, %parallel_loop3A_78] {strides = array<i32>} : memref<2x4096xf32, #tpu.memory_space<vmem>>, vector<16xf32>,
      tpu.vector_store %arg8[%parallel_loop3A_77, %parallel_loop3A_78], %broadcast_in_dim3A_3 {strides = array<i32>} : memref<2x4096xf32, #tpu.memory_space<vmem>>, vector<16xf32>,
      %parallel_loop3A_80 = arith.constant 1 : i32
      %parallel_loop3A_81 = arith.index_cast %parallel_loop3A_80 : i32 to index
      %parallel_loop3A_82 = arith.index_cast %parallel_loop3A_47 : i32 to index
      %parallel_loop3A_83 = tpu.vector_load %arg8[%parallel_loop3A_81, %parallel_loop3A_82] {strides = array<i32>} : memref<2x4096xf32, #tpu.memory_space<vmem>>, vector<16xf32>,
      tpu.vector_store %arg8[%parallel_loop3A_81, %parallel_loop3A_82], %broadcast_in_dim3A_3 {strides = array<i32>} : memref<2x4096xf32, #tpu.memory_space<vmem>>, vector<16xf32>,
      %parallel_loop3A_84 = arith.constant 0 : i32
      %parallel_loop3A_85 = arith.index_cast %parallel_loop3A_84 : i32 to index
      %parallel_loop3A_86 = arith.index_cast %parallel_loop3A_47 : i32 to index
      %parallel_loop3A_87 = tpu.vector_load %arg9[%parallel_loop3A_85, %parallel_loop3A_86] {strides = array<i32>} : memref<2x4096xf32, #tpu.memory_space<vmem>>, vector<16xf32>,
      tpu.vector_store %arg9[%parallel_loop3A_85, %parallel_loop3A_86], %broadcast_in_dim3A_3 {strides = array<i32>} : memref<2x4096xf32, #tpu.memory_space<vmem>>, vector<16xf32>,
      %parallel_loop3A_88 = arith.constant 1 : i32
      %parallel_loop3A_89 = arith.index_cast %parallel_loop3A_88 : i32 to index
      %parallel_loop3A_90 = arith.index_cast %parallel_loop3A_47 : i32 to index
      %parallel_loop3A_91 = tpu.vector_load %arg9[%parallel_loop3A_89, %parallel_loop3A_90] {strides = array<i32>} : memref<2x4096xf32, #tpu.memory_space<vmem>>, vector<16xf32>,
      tpu.vector_store %arg9[%parallel_loop3A_89, %parallel_loop3A_90], %broadcast_in_dim3A_3 {strides = array<i32>} : memref<2x4096xf32, #tpu.memory_space<vmem>>, vector<16xf32>,
      %parallel_loop3A_92 = arith.addf %parallel_loop3A_44, %parallel_loop3A_57 : vector<16xf32>
      %parallel_loop3A_93 = arith.addf %parallel_loop3A_45, %parallel_loop3A_67 : vector<16xf32>
      scf.yield %parallel_loop3A_92, %parallel_loop3A_93 : vector<16xf32>, vector<16xf32>
    } {sc.loop_unroll_factor = 4 : i64, sc.parallel_access}
    %reduce_sum3A = arith.constant true
    %reduce_sum3A_7 = vector.broadcast %reduce_sum3A : i1 to vector<16xi1>
    %reduce_sum3A_8 = tpu.scan <sum>, %parallel_loop3A_6#0 masked %reduce_sum3A_7 : vector<16xf32>, vector<16xi1> -> vector<16xf32>
    %reduce_sum3A_9 = vector.extract %reduce_sum3A_8[15] : f32 from vector<16xf32>
    %reduce_sum3A_10 = arith.constant true
    %reduce_sum3A_11 = vector.broadcast %reduce_sum3A_10 : i1 to vector<16xi1>
    %reduce_sum3A_12 = tpu.scan <sum>, %parallel_loop3A_6#1 masked %reduce_sum3A_11 : vector<16xf32>, vector<16xi1> -> vector<16xf32>
    %reduce_sum3A_13 = vector.extract %reduce_sum3A_12[15] : f32 from vector<16xf32>
    %scan3A = arith.constant 0 : i32
    %scan3A_14 = arith.constant 16 : i32
    %scan3A_15 = arith.addi %scan3A, %scan3A_14 : i32
    %scan3A_16 = arith.constant 1 : i32
    %scan3A_17:2 = scf.for %scan3A_43 = %scan3A to %scan3A_15 step %scan3A_16 iter_args(%scan3A_44 = %reduce_sum3A_9, %scan3A_45 = %reduce_sum3A_13) -> (f32, f32)  : i32 {
      %broadcast_in_dim3A_46 = vector.broadcast %scan3A_44 : f32 to vector<16xf32>
      %div3A = arith.constant 1.000000e+00 : f32
      %div3A_47 = vector.broadcast %div3A : f32 to vector<16xf32>
      %div3A_48 = arith.divf %div3A_47, %broadcast_in_dim3A_46 : vector<16xf32>
      %broadcast_in_dim3A_49 = vector.broadcast %scan3A_45 : f32 to vector<16xf32>
      %div3A_50 = arith.constant 1.000000e+00 : f32
      %div3A_51 = vector.broadcast %div3A_50 : f32 to vector<16xf32>
      %div3A_52 = arith.divf %div3A_51, %broadcast_in_dim3A_49 : vector<16xf32>
      %parallel_loop3A_53 = arith.constant 0 : i32
      %parallel_loop3A_54 = arith.constant 256 : i32
      %parallel_loop3A_55 = arith.constant 1 : i32
      %parallel_loop3A_56:2 = scf.for %parallel_loop3A_65 = %parallel_loop3A_53 to %parallel_loop3A_54 step %parallel_loop3A_55 iter_args(%parallel_loop3A_66 = %broadcast_in_dim3A_3, %parallel_loop3A_67 = %broadcast_in_dim3A_3) -> (vector<16xf32>, vector<16xf32>)  : i32 {
        %parallel_loop3A_68 = arith.constant 16 : i32
        %parallel_loop3A_69 = arith.muli %parallel_loop3A_65, %parallel_loop3A_68 : i32
        %parallel_loop3A_70 = arith.constant 0 : i32
        %parallel_loop3A_71 = arith.index_cast %parallel_loop3A_70 : i32 to index
        %parallel_loop3A_72 = arith.index_cast %parallel_loop3A_69 : i32 to index
        %parallel_loop3A_73 = tpu.vector_load %arg7[%parallel_loop3A_71, %parallel_loop3A_72] {strides = array<i32>} : memref<2x4096xf32, #tpu.memory_space<vmem>>, vector<16xf32>,
        %parallel_loop3A_74 = arith.constant 1 : i32
        %parallel_loop3A_75 = arith.index_cast %parallel_loop3A_74 : i32 to index
        %parallel_loop3A_76 = arith.index_cast %parallel_loop3A_69 : i32 to index
        %parallel_loop3A_77 = tpu.vector_load %arg7[%parallel_loop3A_75, %parallel_loop3A_76] {strides = array<i32>} : memref<2x4096xf32, #tpu.memory_space<vmem>>, vector<16xf32>,
        %parallel_loop3A_78 = arith.mulf %parallel_loop3A_73, %div3A_48 : vector<16xf32>
        %parallel_loop3A_79 = arith.mulf %parallel_loop3A_77, %div3A_52 : vector<16xf32>
        %parallel_loop3A_80 = arith.constant 0 : i32
        %parallel_loop3A_81 = arith.index_cast %parallel_loop3A_80 : i32 to index
        %parallel_loop3A_82 = arith.index_cast %parallel_loop3A_69 : i32 to index
        %parallel_loop3A_83 = tpu.vector_load %arg8[%parallel_loop3A_81, %parallel_loop3A_82] {strides = array<i32>} : memref<2x4096xf32, #tpu.memory_space<vmem>>, vector<16xf32>,
        %parallel_loop3A_84 = arith.addf %parallel_loop3A_83, %parallel_loop3A_78 : vector<16xf32>
        %parallel_loop3A_85 = arith.constant 0 : i32
        %parallel_loop3A_86 = arith.index_cast %parallel_loop3A_85 : i32 to index
        %parallel_loop3A_87 = arith.index_cast %parallel_loop3A_69 : i32 to index
        %parallel_loop3A_88 = tpu.vector_load %arg8[%parallel_loop3A_86, %parallel_loop3A_87] {strides = array<i32>} : memref<2x4096xf32, #tpu.memory_space<vmem>>, vector<16xf32>,
        tpu.vector_store %arg8[%parallel_loop3A_86, %parallel_loop3A_87], %parallel_loop3A_84 {strides = array<i32>} : memref<2x4096xf32, #tpu.memory_space<vmem>>, vector<16xf32>,
        %parallel_loop3A_89 = arith.constant 1 : i32
        %parallel_loop3A_90 = arith.index_cast %parallel_loop3A_89 : i32 to index
        %parallel_loop3A_91 = arith.index_cast %parallel_loop3A_69 : i32 to index
        %parallel_loop3A_92 = tpu.vector_load %arg8[%parallel_loop3A_90, %parallel_loop3A_91] {strides = array<i32>} : memref<2x4096xf32, #tpu.memory_space<vmem>>, vector<16xf32>,
        %parallel_loop3A_93 = arith.addf %parallel_loop3A_92, %parallel_loop3A_79 : vector<16xf32>
        %parallel_loop3A_94 = arith.constant 1 : i32
        %parallel_loop3A_95 = arith.index_cast %parallel_loop3A_94 : i32 to index
        %parallel_loop3A_96 = arith.index_cast %parallel_loop3A_69 : i32 to index
        %parallel_loop3A_97 = tpu.vector_load %arg8[%parallel_loop3A_95, %parallel_loop3A_96] {strides = array<i32>} : memref<2x4096xf32, #tpu.memory_space<vmem>>, vector<16xf32>,
        tpu.vector_store %arg8[%parallel_loop3A_95, %parallel_loop3A_96], %parallel_loop3A_93 {strides = array<i32>} : memref<2x4096xf32, #tpu.memory_space<vmem>>, vector<16xf32>,
        %parallel_loop3A_98 = arith.constant 1.000000e+00 : f32
        %parallel_loop3A_99 = vector.broadcast %parallel_loop3A_98 : f32 to vector<16xf32>
        %parallel_loop3A_100 = arith.subf %parallel_loop3A_99, %parallel_loop3A_78 : vector<16xf32>
        %parallel_loop3A_101 = arith.constant 1.17549435E-38 : f32
        %parallel_loop3A_102 = vector.broadcast %parallel_loop3A_101 : f32 to vector<16xf32>
        %parallel_loop3A_103 = arith.maximumf %parallel_loop3A_100, %parallel_loop3A_102 : vector<16xf32>
        %parallel_loop3A_104 = arith.mulf %parallel_loop3A_73, %parallel_loop3A_103 : vector<16xf32>
        %parallel_loop3A_105 = arith.constant 1.000000e+00 : f32
        %parallel_loop3A_106 = vector.broadcast %parallel_loop3A_105 : f32 to vector<16xf32>
        %parallel_loop3A_107 = arith.subf %parallel_loop3A_106, %parallel_loop3A_79 : vector<16xf32>
        %parallel_loop3A_108 = arith.constant 1.17549435E-38 : f32
        %parallel_loop3A_109 = vector.broadcast %parallel_loop3A_108 : f32 to vector<16xf32>
        %parallel_loop3A_110 = arith.maximumf %parallel_loop3A_107, %parallel_loop3A_109 : vector<16xf32>
        %parallel_loop3A_111 = arith.mulf %parallel_loop3A_77, %parallel_loop3A_110 : vector<16xf32>
        %parallel_loop3A_112 = arith.constant 0 : i32
        %parallel_loop3A_113 = arith.index_cast %parallel_loop3A_112 : i32 to index
        %parallel_loop3A_114 = arith.index_cast %parallel_loop3A_69 : i32 to index
        %parallel_loop3A_115 = tpu.vector_load %arg7[%parallel_loop3A_113, %parallel_loop3A_114] {strides = array<i32>} : memref<2x4096xf32, #tpu.memory_space<vmem>>, vector<16xf32>,
        tpu.vector_store %arg7[%parallel_loop3A_113, %parallel_loop3A_114], %parallel_loop3A_104 {strides = array<i32>} : memref<2x4096xf32, #tpu.memory_space<vmem>>, vector<16xf32>,
        %parallel_loop3A_116 = arith.constant 1 : i32
        %parallel_loop3A_117 = arith.index_cast %parallel_loop3A_116 : i32 to index
        %parallel_loop3A_118 = arith.index_cast %parallel_loop3A_69 : i32 to index
        %parallel_loop3A_119 = tpu.vector_load %arg7[%parallel_loop3A_117, %parallel_loop3A_118] {strides = array<i32>} : memref<2x4096xf32, #tpu.memory_space<vmem>>, vector<16xf32>,
        tpu.vector_store %arg7[%parallel_loop3A_117, %parallel_loop3A_118], %parallel_loop3A_111 {strides = array<i32>} : memref<2x4096xf32, #tpu.memory_space<vmem>>, vector<16xf32>,
        %parallel_loop3A_120 = arith.addf %parallel_loop3A_66, %parallel_loop3A_104 : vector<16xf32>
        %parallel_loop3A_121 = arith.addf %parallel_loop3A_67, %parallel_loop3A_111 : vector<16xf32>
        scf.yield %parallel_loop3A_120, %parallel_loop3A_121 : vector<16xf32>, vector<16xf32>
      } {sc.loop_unroll_factor = 4 : i64, sc.parallel_access}
      %reduce_sum3A_57 = arith.constant true
      %reduce_sum3A_58 = vector.broadcast %reduce_sum3A_57 : i1 to vector<16xi1>
      %reduce_sum3A_59 = tpu.scan <sum>, %parallel_loop3A_56#0 masked %reduce_sum3A_58 : vector<16xf32>, vector<16xi1> -> vector<16xf32>
      %reduce_sum3A_60 = vector.extract %reduce_sum3A_59[15] : f32 from vector<16xf32>
      %reduce_sum3A_61 = arith.constant true
      %reduce_sum3A_62 = vector.broadcast %reduce_sum3A_61 : i1 to vector<16xi1>
      %reduce_sum3A_63 = tpu.scan <sum>, %parallel_loop3A_56#1 masked %reduce_sum3A_62 : vector<16xf32>, vector<16xi1> -> vector<16xf32>
      %reduce_sum3A_64 = vector.extract %reduce_sum3A_63[15] : f32 from vector<16xf32>
      scf.yield %reduce_sum3A_60, %reduce_sum3A_64 : f32, f32
    }
    %scan3A_18 = arith.constant 16 : i32
    %broadcast_in_dim3A_19 = arith.constant 0 : i32
    %broadcast_in_dim3A_20 = vector.broadcast %broadcast_in_dim3A_19 : i32 to vector<16xi32>
    %parallel_loop3A_21 = arith.constant 0 : i32
    %parallel_loop3A_22 = arith.constant 16 : i32
    %parallel_loop3A_23 = arith.constant 1 : i32
    scf.for %parallel_loop3A_43 = %parallel_loop3A_21 to %parallel_loop3A_22 step %parallel_loop3A_23  : i32 {
      %parallel_loop3A_44 = arith.constant -1.000000e+00 : f32
      %parallel_loop3A_45 = vector.broadcast %parallel_loop3A_44 : f32 to vector<16xf32>
      %parallel_loop3A_46 = arith.constant 16 : i32
      %parallel_loop3A_47 = vector.broadcast %parallel_loop3A_46 : i32 to vector<16xi32>
      %parallel_loop3A_48 = arith.muli %iota3A, %parallel_loop3A_47 : vector<16xi32>
      %parallel_loop3A_49 = arith.constant 256 : i32
      %parallel_loop3A_50 = arith.muli %parallel_loop3A_43, %parallel_loop3A_49 : i32
      %parallel_loop3A_51 = vector.broadcast %parallel_loop3A_50 : i32 to vector<16xi32>
      %parallel_loop3A_52 = arith.addi %parallel_loop3A_48, %parallel_loop3A_51 : vector<16xi32>
      %parallel_loop3A_53 = arith.constant 0 : i32
      %parallel_loop3A_54 = vector.broadcast %parallel_loop3A_53 : i32 to vector<16xi32>
      %parallel_loop3A_55 = arith.addi %parallel_loop3A_52, %parallel_loop3A_54 : vector<16xi32>
      %parallel_loop3A_56 = tpu.vector_load_idx %arg8[%broadcast_in_dim3A_20, %parallel_loop3A_55] : memref<2x4096xf32, #tpu.memory_space<vmem>>[vector<16xi32>, vector<16xi32>], vector<16xf32>,
      %parallel_loop3A_57 = arith.maximumf %parallel_loop3A_45, %parallel_loop3A_56 : vector<16xf32>
      %parallel_loop3A_58 = arith.constant 16 : i32
      %parallel_loop3A_59 = vector.broadcast %parallel_loop3A_58 : i32 to vector<16xi32>
      %parallel_loop3A_60 = arith.muli %iota3A, %parallel_loop3A_59 : vector<16xi32>
      %parallel_loop3A_61 = arith.constant 256 : i32
      %parallel_loop3A_62 = arith.muli %parallel_loop3A_43, %parallel_loop3A_61 : i32
      %parallel_loop3A_63 = vector.broadcast %parallel_loop3A_62 : i32 to vector<16xi32>
      %parallel_loop3A_64 = arith.addi %parallel_loop3A_60, %parallel_loop3A_63 : vector<16xi32>
      %parallel_loop3A_65 = arith.constant 1 : i32
      %parallel_loop3A_66 = vector.broadcast %parallel_loop3A_65 : i32 to vector<16xi32>
      %parallel_loop3A_67 = arith.addi %parallel_loop3A_64, %parallel_loop3A_66 : vector<16xi32>
      %parallel_loop3A_68 = tpu.vector_load_idx %arg8[%broadcast_in_dim3A_20, %parallel_loop3A_67] : memref<2x4096xf32, #tpu.memory_space<vmem>>[vector<16xi32>, vector<16xi32>], vector<16xf32>,
      %parallel_loop3A_69 = arith.maximumf %parallel_loop3A_57, %parallel_loop3A_68 : vector<16xf32>
      %parallel_loop3A_70 = arith.constant 16 : i32
      %parallel_loop3A_71 = vector.broadcast %parallel_loop3A_70 : i32 to vector<16xi32>
      %parallel_loop3A_72 = arith.muli %iota3A, %parallel_loop3A_71 : vector<16xi32>
      %parallel_loop3A_73 = arith.constant 256 : i32
      %parallel_loop3A_74 = arith.muli %parallel_loop3A_43, %parallel_loop3A_73 : i32
      %parallel_loop3A_75 = vector.broadcast %parallel_loop3A_74 : i32 to vector<16xi32>
      %parallel_loop3A_76 = arith.addi %parallel_loop3A_72, %parallel_loop3A_75 : vector<16xi32>
      %parallel_loop3A_77 = arith.constant 2 : i32
      %parallel_loop3A_78 = vector.broadcast %parallel_loop3A_77 : i32 to vector<16xi32>
      %parallel_loop3A_79 = arith.addi %parallel_loop3A_76, %parallel_loop3A_78 : vector<16xi32>
      %parallel_loop3A_80 = tpu.vector_load_idx %arg8[%broadcast_in_dim3A_20, %parallel_loop3A_79] : memref<2x4096xf32, #tpu.memory_space<vmem>>[vector<16xi32>, vector<16xi32>], vector<16xf32>,
      %parallel_loop3A_81 = arith.maximumf %parallel_loop3A_69, %parallel_loop3A_80 : vector<16xf32>
      %parallel_loop3A_82 = arith.constant 16 : i32
      %parallel_loop3A_83 = vector.broadcast %parallel_loop3A_82 : i32 to vector<16xi32>
      %parallel_loop3A_84 = arith.muli %iota3A, %parallel_loop3A_83 : vector<16xi32>
      %parallel_loop3A_85 = arith.constant 256 : i32
      %parallel_loop3A_86 = arith.muli %parallel_loop3A_43, %parallel_loop3A_85 : i32
      %parallel_loop3A_87 = vector.broadcast %parallel_loop3A_86 : i32 to vector<16xi32>
      %parallel_loop3A_88 = arith.addi %parallel_loop3A_84, %parallel_loop3A_87 : vector<16xi32>
      %parallel_loop3A_89 = arith.constant 3 : i32
      %parallel_loop3A_90 = vector.broadcast %parallel_loop3A_89 : i32 to vector<16xi32>
      %parallel_loop3A_91 = arith.addi %parallel_loop3A_88, %parallel_loop3A_90 : vector<16xi32>
      %parallel_loop3A_92 = tpu.vector_load_idx %arg8[%broadcast_in_dim3A_20, %parallel_loop3A_91] : memref<2x4096xf32, #tpu.memory_space<vmem>>[vector<16xi32>, vector<16xi32>], vector<16xf32>,
      %parallel_loop3A_93 = arith.maximumf %parallel_loop3A_81, %parallel_loop3A_92 : vector<16xf32>
      %parallel_loop3A_94 = arith.constant 16 : i32
      %parallel_loop3A_95 = vector.broadcast %parallel_loop3A_94 : i32 to vector<16xi32>
      %parallel_loop3A_96 = arith.muli %iota3A, %parallel_loop3A_95 : vector<16xi32>
      %parallel_loop3A_97 = arith.constant 256 : i32
      %parallel_loop3A_98 = arith.muli %parallel_loop3A_43, %parallel_loop3A_97 : i32
      %parallel_loop3A_99 = vector.broadcast %parallel_loop3A_98 : i32 to vector<16xi32>
      %parallel_loop3A_100 = arith.addi %parallel_loop3A_96, %parallel_loop3A_99 : vector<16xi32>
      %parallel_loop3A_101 = arith.constant 4 : i32
      %parallel_loop3A_102 = vector.broadcast %parallel_loop3A_101 : i32 to vector<16xi32>
      %parallel_loop3A_103 = arith.addi %parallel_loop3A_100, %parallel_loop3A_102 : vector<16xi32>
      %parallel_loop3A_104 = tpu.vector_load_idx %arg8[%broadcast_in_dim3A_20, %parallel_loop3A_103] : memref<2x4096xf32, #tpu.memory_space<vmem>>[vector<16xi32>, vector<16xi32>], vector<16xf32>,
      %parallel_loop3A_105 = arith.maximumf %parallel_loop3A_93, %parallel_loop3A_104 : vector<16xf32>
      %parallel_loop3A_106 = arith.constant 16 : i32
      %parallel_loop3A_107 = vector.broadcast %parallel_loop3A_106 : i32 to vector<16xi32>
      %parallel_loop3A_108 = arith.muli %iota3A, %parallel_loop3A_107 : vector<16xi32>
      %parallel_loop3A_109 = arith.constant 256 : i32
      %parallel_loop3A_110 = arith.muli %parallel_loop3A_43, %parallel_loop3A_109 : i32
      %parallel_loop3A_111 = vector.broadcast %parallel_loop3A_110 : i32 to vector<16xi32>
      %parallel_loop3A_112 = arith.addi %parallel_loop3A_108, %parallel_loop3A_111 : vector<16xi32>
      %parallel_loop3A_113 = arith.constant 5 : i32
      %parallel_loop3A_114 = vector.broadcast %parallel_loop3A_113 : i32 to vector<16xi32>
      %parallel_loop3A_115 = arith.addi %parallel_loop3A_112, %parallel_loop3A_114 : vector<16xi32>
      %parallel_loop3A_116 = tpu.vector_load_idx %arg8[%broadcast_in_dim3A_20, %parallel_loop3A_115] : memref<2x4096xf32, #tpu.memory_space<vmem>>[vector<16xi32>, vector<16xi32>], vector<16xf32>,
      %parallel_loop3A_117 = arith.maximumf %parallel_loop3A_105, %parallel_loop3A_116 : vector<16xf32>
      %parallel_loop3A_118 = arith.constant 16 : i32
      %parallel_loop3A_119 = vector.broadcast %parallel_loop3A_118 : i32 to vector<16xi32>
      %parallel_loop3A_120 = arith.muli %iota3A, %parallel_loop3A_119 : vector<16xi32>
      %parallel_loop3A_121 = arith.constant 256 : i32
      %parallel_loop3A_122 = arith.muli %parallel_loop3A_43, %parallel_loop3A_121 : i32
      %parallel_loop3A_123 = vector.broadcast %parallel_loop3A_122 : i32 to vector<16xi32>
      %parallel_loop3A_124 = arith.addi %parallel_loop3A_120, %parallel_loop3A_123 : vector<16xi32>
      %parallel_loop3A_125 = arith.constant 6 : i32
      %parallel_loop3A_126 = vector.broadcast %parallel_loop3A_125 : i32 to vector<16xi32>
      %parallel_loop3A_127 = arith.addi %parallel_loop3A_124, %parallel_loop3A_126 : vector<16xi32>
      %parallel_loop3A_128 = tpu.vector_load_idx %arg8[%broadcast_in_dim3A_20, %parallel_loop3A_127] : memref<2x4096xf32, #tpu.memory_space<vmem>>[vector<16xi32>, vector<16xi32>], vector<16xf32>,
      %parallel_loop3A_129 = arith.maximumf %parallel_loop3A_117, %parallel_loop3A_128 : vector<16xf32>
      %parallel_loop3A_130 = arith.constant 16 : i32
      %parallel_loop3A_131 = vector.broadcast %parallel_loop3A_130 : i32 to vector<16xi32>
      %parallel_loop3A_132 = arith.muli %iota3A, %parallel_loop3A_131 : vector<16xi32>
      %parallel_loop3A_133 = arith.constant 256 : i32
      %parallel_loop3A_134 = arith.muli %parallel_loop3A_43, %parallel_loop3A_133 : i32
      %parallel_loop3A_135 = vector.broadcast %parallel_loop3A_134 : i32 to vector<16xi32>
      %parallel_loop3A_136 = arith.addi %parallel_loop3A_132, %parallel_loop3A_135 : vector<16xi32>
      %parallel_loop3A_137 = arith.constant 7 : i32
      %parallel_loop3A_138 = vector.broadcast %parallel_loop3A_137 : i32 to vector<16xi32>
      %parallel_loop3A_139 = arith.addi %parallel_loop3A_136, %parallel_loop3A_138 : vector<16xi32>
      %parallel_loop3A_140 = tpu.vector_load_idx %arg8[%broadcast_in_dim3A_20, %parallel_loop3A_139] : memref<2x4096xf32, #tpu.memory_space<vmem>>[vector<16xi32>, vector<16xi32>], vector<16xf32>,
      %parallel_loop3A_141 = arith.maximumf %parallel_loop3A_129, %parallel_loop3A_140 : vector<16xf32>
      %parallel_loop3A_142 = arith.constant 16 : i32
      %parallel_loop3A_143 = vector.broadcast %parallel_loop3A_142 : i32 to vector<16xi32>
      %parallel_loop3A_144 = arith.muli %iota3A, %parallel_loop3A_143 : vector<16xi32>
      %parallel_loop3A_145 = arith.constant 256 : i32
      %parallel_loop3A_146 = arith.muli %parallel_loop3A_43, %parallel_loop3A_145 : i32
      %parallel_loop3A_147 = vector.broadcast %parallel_loop3A_146 : i32 to vector<16xi32>
      %parallel_loop3A_148 = arith.addi %parallel_loop3A_144, %parallel_loop3A_147 : vector<16xi32>
      %parallel_loop3A_149 = arith.constant 8 : i32
      %parallel_loop3A_150 = vector.broadcast %parallel_loop3A_149 : i32 to vector<16xi32>
      %parallel_loop3A_151 = arith.addi %parallel_loop3A_148, %parallel_loop3A_150 : vector<16xi32>
      %parallel_loop3A_152 = tpu.vector_load_idx %arg8[%broadcast_in_dim3A_20, %parallel_loop3A_151] : memref<2x4096xf32, #tpu.memory_space<vmem>>[vector<16xi32>, vector<16xi32>], vector<16xf32>,
      %parallel_loop3A_153 = arith.maximumf %parallel_loop3A_141, %parallel_loop3A_152 : vector<16xf32>
      %parallel_loop3A_154 = arith.constant 16 : i32
      %parallel_loop3A_155 = vector.broadcast %parallel_loop3A_154 : i32 to vector<16xi32>
      %parallel_loop3A_156 = arith.muli %iota3A, %parallel_loop3A_155 : vector<16xi32>
      %parallel_loop3A_157 = arith.constant 256 : i32
      %parallel_loop3A_158 = arith.muli %parallel_loop3A_43, %parallel_loop3A_157 : i32
      %parallel_loop3A_159 = vector.broadcast %parallel_loop3A_158 : i32 to vector<16xi32>
      %parallel_loop3A_160 = arith.addi %parallel_loop3A_156, %parallel_loop3A_159 : vector<16xi32>
      %parallel_loop3A_161 = arith.constant 9 : i32
      %parallel_loop3A_162 = vector.broadcast %parallel_loop3A_161 : i32 to vector<16xi32>
      %parallel_loop3A_163 = arith.addi %parallel_loop3A_160, %parallel_loop3A_162 : vector<16xi32>
      %parallel_loop3A_164 = tpu.vector_load_idx %arg8[%broadcast_in_dim3A_20, %parallel_loop3A_163] : memref<2x4096xf32, #tpu.memory_space<vmem>>[vector<16xi32>, vector<16xi32>], vector<16xf32>,
      %parallel_loop3A_165 = arith.maximumf %parallel_loop3A_153, %parallel_loop3A_164 : vector<16xf32>
      %parallel_loop3A_166 = arith.constant 16 : i32
      %parallel_loop3A_167 = vector.broadcast %parallel_loop3A_166 : i32 to vector<16xi32>
      %parallel_loop3A_168 = arith.muli %iota3A, %parallel_loop3A_167 : vector<16xi32>
      %parallel_loop3A_169 = arith.constant 256 : i32
      %parallel_loop3A_170 = arith.muli %parallel_loop3A_43, %parallel_loop3A_169 : i32
      %parallel_loop3A_171 = vector.broadcast %parallel_loop3A_170 : i32 to vector<16xi32>
      %parallel_loop3A_172 = arith.addi %parallel_loop3A_168, %parallel_loop3A_171 : vector<16xi32>
      %parallel_loop3A_173 = arith.constant 10 : i32
      %parallel_loop3A_174 = vector.broadcast %parallel_loop3A_173 : i32 to vector<16xi32>
      %parallel_loop3A_175 = arith.addi %parallel_loop3A_172, %parallel_loop3A_174 : vector<16xi32>
      %parallel_loop3A_176 = tpu.vector_load_idx %arg8[%broadcast_in_dim3A_20, %parallel_loop3A_175] : memref<2x4096xf32, #tpu.memory_space<vmem>>[vector<16xi32>, vector<16xi32>], vector<16xf32>,
      %parallel_loop3A_177 = arith.maximumf %parallel_loop3A_165, %parallel_loop3A_176 : vector<16xf32>
      %parallel_loop3A_178 = arith.constant 16 : i32
      %parallel_loop3A_179 = vector.broadcast %parallel_loop3A_178 : i32 to vector<16xi32>
      %parallel_loop3A_180 = arith.muli %iota3A, %parallel_loop3A_179 : vector<16xi32>
      %parallel_loop3A_181 = arith.constant 256 : i32
      %parallel_loop3A_182 = arith.muli %parallel_loop3A_43, %parallel_loop3A_181 : i32
      %parallel_loop3A_183 = vector.broadcast %parallel_loop3A_182 : i32 to vector<16xi32>
      %parallel_loop3A_184 = arith.addi %parallel_loop3A_180, %parallel_loop3A_183 : vector<16xi32>
      %parallel_loop3A_185 = arith.constant 11 : i32
      %parallel_loop3A_186 = vector.broadcast %parallel_loop3A_185 : i32 to vector<16xi32>
      %parallel_loop3A_187 = arith.addi %parallel_loop3A_184, %parallel_loop3A_186 : vector<16xi32>
      %parallel_loop3A_188 = tpu.vector_load_idx %arg8[%broadcast_in_dim3A_20, %parallel_loop3A_187] : memref<2x4096xf32, #tpu.memory_space<vmem>>[vector<16xi32>, vector<16xi32>], vector<16xf32>,
      %parallel_loop3A_189 = arith.maximumf %parallel_loop3A_177, %parallel_loop3A_188 : vector<16xf32>
      %parallel_loop3A_190 = arith.constant 16 : i32
      %parallel_loop3A_191 = vector.broadcast %parallel_loop3A_190 : i32 to vector<16xi32>
      %parallel_loop3A_192 = arith.muli %iota3A, %parallel_loop3A_191 : vector<16xi32>
      %parallel_loop3A_193 = arith.constant 256 : i32
      %parallel_loop3A_194 = arith.muli %parallel_loop3A_43, %parallel_loop3A_193 : i32
      %parallel_loop3A_195 = vector.broadcast %parallel_loop3A_194 : i32 to vector<16xi32>
      %parallel_loop3A_196 = arith.addi %parallel_loop3A_192, %parallel_loop3A_195 : vector<16xi32>
      %parallel_loop3A_197 = arith.constant 12 : i32
      %parallel_loop3A_198 = vector.broadcast %parallel_loop3A_197 : i32 to vector<16xi32>
      %parallel_loop3A_199 = arith.addi %parallel_loop3A_196, %parallel_loop3A_198 : vector<16xi32>
      %parallel_loop3A_200 = tpu.vector_load_idx %arg8[%broadcast_in_dim3A_20, %parallel_loop3A_199] : memref<2x4096xf32, #tpu.memory_space<vmem>>[vector<16xi32>, vector<16xi32>], vector<16xf32>,
      %parallel_loop3A_201 = arith.maximumf %parallel_loop3A_189, %parallel_loop3A_200 : vector<16xf32>
      %parallel_loop3A_202 = arith.constant 16 : i32
      %parallel_loop3A_203 = vector.broadcast %parallel_loop3A_202 : i32 to vector<16xi32>
      %parallel_loop3A_204 = arith.muli %iota3A, %parallel_loop3A_203 : vector<16xi32>
      %parallel_loop3A_205 = arith.constant 256 : i32
      %parallel_loop3A_206 = arith.muli %parallel_loop3A_43, %parallel_loop3A_205 : i32
      %parallel_loop3A_207 = vector.broadcast %parallel_loop3A_206 : i32 to vector<16xi32>
      %parallel_loop3A_208 = arith.addi %parallel_loop3A_204, %parallel_loop3A_207 : vector<16xi32>
      %parallel_loop3A_209 = arith.constant 13 : i32
      %parallel_loop3A_210 = vector.broadcast %parallel_loop3A_209 : i32 to vector<16xi32>
      %parallel_loop3A_211 = arith.addi %parallel_loop3A_208, %parallel_loop3A_210 : vector<16xi32>
      %parallel_loop3A_212 = tpu.vector_load_idx %arg8[%broadcast_in_dim3A_20, %parallel_loop3A_211] : memref<2x4096xf32, #tpu.memory_space<vmem>>[vector<16xi32>, vector<16xi32>], vector<16xf32>,
      %parallel_loop3A_213 = arith.maximumf %parallel_loop3A_201, %parallel_loop3A_212 : vector<16xf32>
      %parallel_loop3A_214 = arith.constant 16 : i32
      %parallel_loop3A_215 = vector.broadcast %parallel_loop3A_214 : i32 to vector<16xi32>
      %parallel_loop3A_216 = arith.muli %iota3A, %parallel_loop3A_215 : vector<16xi32>
      %parallel_loop3A_217 = arith.constant 256 : i32
      %parallel_loop3A_218 = arith.muli %parallel_loop3A_43, %parallel_loop3A_217 : i32
      %parallel_loop3A_219 = vector.broadcast %parallel_loop3A_218 : i32 to vector<16xi32>
      %parallel_loop3A_220 = arith.addi %parallel_loop3A_216, %parallel_loop3A_219 : vector<16xi32>
      %parallel_loop3A_221 = arith.constant 14 : i32
      %parallel_loop3A_222 = vector.broadcast %parallel_loop3A_221 : i32 to vector<16xi32>
      %parallel_loop3A_223 = arith.addi %parallel_loop3A_220, %parallel_loop3A_222 : vector<16xi32>
      %parallel_loop3A_224 = tpu.vector_load_idx %arg8[%broadcast_in_dim3A_20, %parallel_loop3A_223] : memref<2x4096xf32, #tpu.memory_space<vmem>>[vector<16xi32>, vector<16xi32>], vector<16xf32>,
      %parallel_loop3A_225 = arith.maximumf %parallel_loop3A_213, %parallel_loop3A_224 : vector<16xf32>
      %parallel_loop3A_226 = arith.constant 16 : i32
      %parallel_loop3A_227 = vector.broadcast %parallel_loop3A_226 : i32 to vector<16xi32>
      %parallel_loop3A_228 = arith.muli %iota3A, %parallel_loop3A_227 : vector<16xi32>
      %parallel_loop3A_229 = arith.constant 256 : i32
      %parallel_loop3A_230 = arith.muli %parallel_loop3A_43, %parallel_loop3A_229 : i32
      %parallel_loop3A_231 = vector.broadcast %parallel_loop3A_230 : i32 to vector<16xi32>
      %parallel_loop3A_232 = arith.addi %parallel_loop3A_228, %parallel_loop3A_231 : vector<16xi32>
      %parallel_loop3A_233 = arith.constant 15 : i32
      %parallel_loop3A_234 = vector.broadcast %parallel_loop3A_233 : i32 to vector<16xi32>
      %parallel_loop3A_235 = arith.addi %parallel_loop3A_232, %parallel_loop3A_234 : vector<16xi32>
      %parallel_loop3A_236 = tpu.vector_load_idx %arg8[%broadcast_in_dim3A_20, %parallel_loop3A_235] : memref<2x4096xf32, #tpu.memory_space<vmem>>[vector<16xi32>, vector<16xi32>], vector<16xf32>,
      %parallel_loop3A_237 = arith.maximumf %parallel_loop3A_225, %parallel_loop3A_236 : vector<16xf32>
      %parallel_loop3A_238 = arith.constant 16 : i32
      %parallel_loop3A_239 = arith.muli %parallel_loop3A_43, %parallel_loop3A_238 : i32
      %parallel_loop3A_240 = arith.constant 0 : i32
      %parallel_loop3A_241 = arith.index_cast %parallel_loop3A_240 : i32 to index
      %parallel_loop3A_242 = arith.index_cast %parallel_loop3A_239 : i32 to index
      %parallel_loop3A_243 = tpu.vector_load %arg10[%parallel_loop3A_241, %parallel_loop3A_242] {strides = array<i32>} : memref<2x256xf32, #tpu.memory_space<vmem>>, vector<16xf32>,
      tpu.vector_store %arg10[%parallel_loop3A_241, %parallel_loop3A_242], %parallel_loop3A_237 {strides = array<i32>} : memref<2x256xf32, #tpu.memory_space<vmem>>, vector<16xf32>,
    } {sc.loop_unroll_factor = 1 : i64, sc.parallel_access}
    %scan3A_24 = arith.constant 0 : i32
    %scan3A_25 = arith.constant 0 : i32
    %scan3A_26 = arith.constant 16 : i32
    %scan3A_27 = arith.addi %scan3A_25, %scan3A_26 : i32
    %scan3A_28 = arith.constant 1 : i32
    %scan3A_29 = scf.for %scan3A_43 = %scan3A_25 to %scan3A_27 step %scan3A_28 iter_args(%scan3A_44 = %scan3A_24) -> (i32)  : i32 {
      %broadcast_in_dim3A_45 = arith.constant -1.000000e+00 : f32
      %broadcast_in_dim3A_46 = vector.broadcast %broadcast_in_dim3A_45 : f32 to vector<16xf32>
      %scan3A_47 = arith.constant 0 : i32
      %scan3A_48 = arith.constant 16 : i32
      %scan3A_49 = arith.addi %scan3A_47, %scan3A_48 : i32
      %scan3A_50 = arith.constant 1 : i32
      %scan3A_51 = scf.for %scan3A_146 = %scan3A_47 to %scan3A_49 step %scan3A_50 iter_args(%scan3A_147 = %broadcast_in_dim3A_46) -> (vector<16xf32>)  : i32 {
        %mul3A_148 = arith.constant 16 : i32
        %mul3A_149 = arith.muli %scan3A_146, %mul3A_148 : i32
        %get3A_150 = arith.constant 0 : i32
        %get3A_151 = arith.index_cast %get3A_150 : i32 to index
        %get3A_152 = arith.index_cast %mul3A_149 : i32 to index
        %get3A_153 = tpu.vector_load %arg10[%get3A_151, %get3A_152] {strides = array<i32>} : memref<2x256xf32, #tpu.memory_space<vmem>>, vector<16xf32>,
        %max3A = arith.maximumf %scan3A_147, %get3A_153 : vector<16xf32>
        scf.yield %max3A : vector<16xf32>
      }
      %scan3A_52 = arith.constant 16 : i32
      %reduce_max3A = arith.constant true
      %reduce_max3A_53 = vector.broadcast %reduce_max3A : i1 to vector<16xi1>
      %reduce_max3A_54 = tpu.scan <max>, %scan3A_51 masked %reduce_max3A_53 : vector<16xf32>, vector<16xi1> -> vector<16xf32>
      %reduce_max3A_55 = vector.extract %reduce_max3A_54[15] : f32 from vector<16xf32>
      %broadcast_in_dim3A_56 = arith.constant 256 : i32
      %broadcast_in_dim3A_57 = vector.broadcast %broadcast_in_dim3A_56 : i32 to vector<16xi32>
      %scan3A_58 = arith.constant 0 : i32
      %scan3A_59 = arith.constant 16 : i32
      %scan3A_60 = arith.addi %scan3A_58, %scan3A_59 : i32
      %scan3A_61 = arith.constant 1 : i32
      %scan3A_62 = scf.for %scan3A_146 = %scan3A_58 to %scan3A_60 step %scan3A_61 iter_args(%scan3A_147 = %broadcast_in_dim3A_57) -> (vector<16xi32>)  : i32 {
        %mul3A_148 = arith.constant 16 : i32
        %mul3A_149 = arith.muli %scan3A_146, %mul3A_148 : i32
        %get3A_150 = arith.constant 0 : i32
        %get3A_151 = arith.index_cast %get3A_150 : i32 to index
        %get3A_152 = arith.index_cast %mul3A_149 : i32 to index
        %get3A_153 = tpu.vector_load %arg10[%get3A_151, %get3A_152] {strides = array<i32>} : memref<2x256xf32, #tpu.memory_space<vmem>>, vector<16xf32>,
        %eq3A_154 = vector.broadcast %reduce_max3A_55 : f32 to vector<16xf32>
        %eq3A_155 = arith.cmpf oeq, %get3A_153, %eq3A_154 : vector<16xf32>
        %mul3A_156 = arith.constant 16 : i32
        %mul3A_157 = arith.muli %scan3A_146, %mul3A_156 : i32
        %add3A_158 = vector.broadcast %mul3A_157 : i32 to vector<16xi32>
        %add3A_159 = arith.addi %iota3A, %add3A_158 : vector<16xi32>
        %jit3A_160 = arith.constant 256 : i32
        %broadcast_in_dim3A_161 = vector.broadcast %jit3A_160 : i32 to vector<16xi32>
        %select_n3A_162 = arith.select %eq3A_155, %add3A_159, %broadcast_in_dim3A_161 : vector<16xi1>, vector<16xi32>
        %min3A = arith.minsi %scan3A_147, %select_n3A_162 : vector<16xi32>
        scf.yield %min3A : vector<16xi32>
      }
      %scan3A_63 = arith.constant 16 : i32
      %reduce_min3A = arith.constant true
      %reduce_min3A_64 = vector.broadcast %reduce_min3A : i1 to vector<16xi1>
      %reduce_min3A_65 = arith.constant -2147483648 : i32
      %reduce_min3A_66 = vector.broadcast %reduce_min3A_65 : i32 to vector<16xi32>
      %reduce_min3A_67 = arith.xori %scan3A_62, %reduce_min3A_66 : vector<16xi32>
      %reduce_min3A_68 = tpu.scan <min>, %reduce_min3A_67 masked %reduce_min3A_64 : vector<16xi32>, vector<16xi1> -> vector<16xi32>
      %reduce_min3A_69 = arith.xori %reduce_min3A_68, %reduce_min3A_66 : vector<16xi32>
      %reduce_min3A_70 = vector.extract %reduce_min3A_69[15] : i32 from vector<16xi32>
      %mul3A_71 = arith.constant 16 : i32
      %mul3A_72 = arith.muli %reduce_min3A_70, %mul3A_71 : i32
      %get3A = arith.constant 0 : i32
      %get3A_73 = arith.index_cast %get3A : i32 to index
      %get3A_74 = arith.index_cast %mul3A_72 : i32 to index
      %get3A_75 = tpu.vector_load %arg8[%get3A_73, %get3A_74] {strides = array<i32>} : memref<2x4096xf32, #tpu.memory_space<vmem>>, vector<16xf32>,
      %eq3A = vector.broadcast %reduce_max3A_55 : f32 to vector<16xf32>
      %eq3A_76 = arith.cmpf oeq, %get3A_75, %eq3A : vector<16xf32>
      %jit3A = arith.constant 16 : i32
      %broadcast_in_dim3A_77 = vector.broadcast %jit3A : i32 to vector<16xi32>
      %select_n3A = arith.select %eq3A_76, %iota3A, %broadcast_in_dim3A_77 : vector<16xi1>, vector<16xi32>
      %reduce_min3A_78 = arith.constant true
      %reduce_min3A_79 = vector.broadcast %reduce_min3A_78 : i1 to vector<16xi1>
      %reduce_min3A_80 = arith.constant -2147483648 : i32
      %reduce_min3A_81 = vector.broadcast %reduce_min3A_80 : i32 to vector<16xi32>
      %reduce_min3A_82 = arith.xori %select_n3A, %reduce_min3A_81 : vector<16xi32>
      %reduce_min3A_83 = tpu.scan <min>, %reduce_min3A_82 masked %reduce_min3A_79 : vector<16xi32>, vector<16xi1> -> vector<16xi32>
      %reduce_min3A_84 = arith.xori %reduce_min3A_83, %reduce_min3A_81 : vector<16xi32>
      %reduce_min3A_85 = vector.extract %reduce_min3A_84[15] : i32 from vector<16xi32>
      %eq3A_86 = vector.broadcast %reduce_min3A_85 : i32 to vector<16xi32>
      %eq3A_87 = arith.cmpi eq, %iota3A, %eq3A_86 : vector<16xi32>
      %broadcast_in_dim3A_88 = vector.broadcast %reduce_max3A_55 : f32 to vector<16xf32>
      %sub3A = arith.constant 1.000000e+00 : f32
      %sub3A_89 = vector.broadcast %sub3A : f32 to vector<16xf32>
      %sub3A_90 = arith.subf %sub3A_89, %broadcast_in_dim3A_88 : vector<16xf32>
      %add3A_91 = arith.addf %sub3A_90, %broadcast_in_dim3A_88 : vector<16xf32>
      %get3A_92 = arith.constant 0 : i32
      %get3A_93 = arith.index_cast %get3A_92 : i32 to index
      %get3A_94 = arith.index_cast %mul3A_72 : i32 to index
      %get3A_95 = tpu.vector_load %arg9[%get3A_93, %get3A_94] {strides = array<i32>} : memref<2x4096xf32, #tpu.memory_space<vmem>>, vector<16xf32>,
      %select_n3A_96 = arith.select %eq3A_87, %add3A_91, %get3A_95 : vector<16xi1>, vector<16xf32>
      %swap3A = arith.constant 0 : i32
      %swap3A_97 = arith.index_cast %swap3A : i32 to index
      %swap3A_98 = arith.index_cast %mul3A_72 : i32 to index
      %swap3A_99 = tpu.vector_load %arg9[%swap3A_97, %swap3A_98] {strides = array<i32>} : memref<2x4096xf32, #tpu.memory_space<vmem>>, vector<16xf32>,
      tpu.vector_store %arg9[%swap3A_97, %swap3A_98], %select_n3A_96 {strides = array<i32>} : memref<2x4096xf32, #tpu.memory_space<vmem>>, vector<16xf32>,
      %jit3A_100 = arith.constant -1.000000e+00 : f32
      %broadcast_in_dim3A_101 = vector.broadcast %jit3A_100 : f32 to vector<16xf32>
      %select_n3A_102 = arith.select %eq3A_87, %broadcast_in_dim3A_101, %get3A_75 : vector<16xi1>, vector<16xf32>
      %swap3A_103 = arith.constant 0 : i32
      %swap3A_104 = arith.index_cast %swap3A_103 : i32 to index
      %swap3A_105 = arith.index_cast %mul3A_72 : i32 to index
      %swap3A_106 = tpu.vector_load %arg8[%swap3A_104, %swap3A_105] {strides = array<i32>} : memref<2x4096xf32, #tpu.memory_space<vmem>>, vector<16xf32>,
      tpu.vector_store %arg8[%swap3A_104, %swap3A_105], %select_n3A_102 {strides = array<i32>} : memref<2x4096xf32, #tpu.memory_space<vmem>>, vector<16xf32>,
      %reduce_max3A_107 = arith.constant true
      %reduce_max3A_108 = vector.broadcast %reduce_max3A_107 : i1 to vector<16xi1>
      %reduce_max3A_109 = tpu.scan <max>, %select_n3A_102 masked %reduce_max3A_108 : vector<16xf32>, vector<16xi1> -> vector<16xf32>
      %reduce_max3A_110 = vector.extract %reduce_max3A_109[15] : f32 from vector<16xf32>
      %jit3A_111 = arith.constant 16 : i32
      %div3A = arith.divsi %reduce_min3A_70, %jit3A_111 : i32
      %sign3A = arith.constant 0 : i32
      %sign3A_112 = arith.cmpi sgt, %reduce_min3A_70, %sign3A : i32
      %sign3A_113 = arith.extui %sign3A_112 : i1 to i32
      %sign3A_114 = arith.constant 0 : i32
      %sign3A_115 = arith.cmpi slt, %reduce_min3A_70, %sign3A_114 : i32
      %sign3A_116 = arith.extui %sign3A_115 : i1 to i32
      %sign3A_117 = arith.subi %sign3A_113, %sign3A_116 : i32
      %sign3A_118 = arith.constant 0 : i32
      %sign3A_119 = arith.cmpi sgt, %jit3A_111, %sign3A_118 : i32
      %sign3A_120 = arith.extui %sign3A_119 : i1 to i32
      %sign3A_121 = arith.constant 0 : i32
      %sign3A_122 = arith.cmpi slt, %jit3A_111, %sign3A_121 : i32
      %sign3A_123 = arith.extui %sign3A_122 : i1 to i32
      %sign3A_124 = arith.subi %sign3A_120, %sign3A_123 : i32
      %ne3A = arith.cmpi ne, %sign3A_117, %sign3A_124 : i32
      %rem3A = arith.remsi %reduce_min3A_70, %jit3A_111 : i32
      %ne3A_125 = arith.constant 0 : i32
      %ne3A_126 = arith.cmpi ne, %rem3A, %ne3A_125 : i32
      %and3A = arith.andi %ne3A, %ne3A_126 : i1
      %sub3A_127 = arith.constant 1 : i32
      %sub3A_128 = arith.subi %div3A, %sub3A_127 : i32
      %select_n3A_129 = arith.select %and3A, %sub3A_128, %div3A : i32
      %mul3A_130 = arith.constant 16 : i32
      %mul3A_131 = arith.muli %select_n3A_129, %mul3A_130 : i32
      %sub3A_132 = arith.subi %reduce_min3A_70, %mul3A_131 : i32
      %eq3A_133 = vector.broadcast %sub3A_132 : i32 to vector<16xi32>
      %eq3A_134 = arith.cmpi eq, %iota3A, %eq3A_133 : vector<16xi32>
      %get3A_135 = arith.constant 0 : i32
      %get3A_136 = arith.index_cast %get3A_135 : i32 to index
      %get3A_137 = arith.index_cast %mul3A_131 : i32 to index
      %get3A_138 = tpu.vector_load %arg10[%get3A_136, %get3A_137] {strides = array<i32>} : memref<2x256xf32, #tpu.memory_space<vmem>>, vector<16xf32>,
      %broadcast_in_dim3A_139 = vector.broadcast %reduce_max3A_110 : f32 to vector<16xf32>
      %select_n3A_140 = arith.select %eq3A_134, %broadcast_in_dim3A_139, %get3A_138 : vector<16xi1>, vector<16xf32>
      %swap3A_141 = arith.constant 0 : i32
      %swap3A_142 = arith.index_cast %swap3A_141 : i32 to index
      %swap3A_143 = arith.index_cast %mul3A_131 : i32 to index
      %swap3A_144 = tpu.vector_load %arg10[%swap3A_142, %swap3A_143] {strides = array<i32>} : memref<2x256xf32, #tpu.memory_space<vmem>>, vector<16xf32>,
      tpu.vector_store %arg10[%swap3A_142, %swap3A_143], %select_n3A_140 {strides = array<i32>} : memref<2x256xf32, #tpu.memory_space<vmem>>, vector<16xf32>,
      %scan3A_145 = arith.constant 0 : i32
      scf.yield %scan3A_145 : i32
    }
    %scan3A_30 = arith.constant 16 : i32
    %broadcast_in_dim3A_31 = arith.constant 1 : i32
    %broadcast_in_dim3A_32 = vector.broadcast %broadcast_in_dim3A_31 : i32 to vector<16xi32>
    %parallel_loop3A_33 = arith.constant 0 : i32
    %parallel_loop3A_34 = arith.constant 16 : i32
    %parallel_loop3A_35 = arith.constant 1 : i32
    scf.for %parallel_loop3A_43 = %parallel_loop3A_33 to %parallel_loop3A_34 step %parallel_loop3A_35  : i32 {
      %parallel_loop3A_44 = arith.constant -1.000000e+00 : f32
      %parallel_loop3A_45 = vector.broadcast %parallel_loop3A_44 : f32 to vector<16xf32>
      %parallel_loop3A_46 = arith.constant 16 : i32
      %parallel_loop3A_47 = vector.broadcast %parallel_loop3A_46 : i32 to vector<16xi32>
      %parallel_loop3A_48 = arith.muli %iota3A, %parallel_loop3A_47 : vector<16xi32>
      %parallel_loop3A_49 = arith.constant 256 : i32
      %parallel_loop3A_50 = arith.muli %parallel_loop3A_43, %parallel_loop3A_49 : i32
      %parallel_loop3A_51 = vector.broadcast %parallel_loop3A_50 : i32 to vector<16xi32>
      %parallel_loop3A_52 = arith.addi %parallel_loop3A_48, %parallel_loop3A_51 : vector<16xi32>
      %parallel_loop3A_53 = arith.constant 0 : i32
      %parallel_loop3A_54 = vector.broadcast %parallel_loop3A_53 : i32 to vector<16xi32>
      %parallel_loop3A_55 = arith.addi %parallel_loop3A_52, %parallel_loop3A_54 : vector<16xi32>
      %parallel_loop3A_56 = tpu.vector_load_idx %arg8[%broadcast_in_dim3A_32, %parallel_loop3A_55] : memref<2x4096xf32, #tpu.memory_space<vmem>>[vector<16xi32>, vector<16xi32>], vector<16xf32>,
      %parallel_loop3A_57 = arith.maximumf %parallel_loop3A_45, %parallel_loop3A_56 : vector<16xf32>
      %parallel_loop3A_58 = arith.constant 16 : i32
      %parallel_loop3A_59 = vector.broadcast %parallel_loop3A_58 : i32 to vector<16xi32>
      %parallel_loop3A_60 = arith.muli %iota3A, %parallel_loop3A_59 : vector<16xi32>
      %parallel_loop3A_61 = arith.constant 256 : i32
      %parallel_loop3A_62 = arith.muli %parallel_loop3A_43, %parallel_loop3A_61 : i32
      %parallel_loop3A_63 = vector.broadcast %parallel_loop3A_62 : i32 to vector<16xi32>
      %parallel_loop3A_64 = arith.addi %parallel_loop3A_60, %parallel_loop3A_63 : vector<16xi32>
      %parallel_loop3A_65 = arith.constant 1 : i32
      %parallel_loop3A_66 = vector.broadcast %parallel_loop3A_65 : i32 to vector<16xi32>
      %parallel_loop3A_67 = arith.addi %parallel_loop3A_64, %parallel_loop3A_66 : vector<16xi32>
      %parallel_loop3A_68 = tpu.vector_load_idx %arg8[%broadcast_in_dim3A_32, %parallel_loop3A_67] : memref<2x4096xf32, #tpu.memory_space<vmem>>[vector<16xi32>, vector<16xi32>], vector<16xf32>,
      %parallel_loop3A_69 = arith.maximumf %parallel_loop3A_57, %parallel_loop3A_68 : vector<16xf32>
      %parallel_loop3A_70 = arith.constant 16 : i32
      %parallel_loop3A_71 = vector.broadcast %parallel_loop3A_70 : i32 to vector<16xi32>
      %parallel_loop3A_72 = arith.muli %iota3A, %parallel_loop3A_71 : vector<16xi32>
      %parallel_loop3A_73 = arith.constant 256 : i32
      %parallel_loop3A_74 = arith.muli %parallel_loop3A_43, %parallel_loop3A_73 : i32
      %parallel_loop3A_75 = vector.broadcast %parallel_loop3A_74 : i32 to vector<16xi32>
      %parallel_loop3A_76 = arith.addi %parallel_loop3A_72, %parallel_loop3A_75 : vector<16xi32>
      %parallel_loop3A_77 = arith.constant 2 : i32
      %parallel_loop3A_78 = vector.broadcast %parallel_loop3A_77 : i32 to vector<16xi32>
      %parallel_loop3A_79 = arith.addi %parallel_loop3A_76, %parallel_loop3A_78 : vector<16xi32>
      %parallel_loop3A_80 = tpu.vector_load_idx %arg8[%broadcast_in_dim3A_32, %parallel_loop3A_79] : memref<2x4096xf32, #tpu.memory_space<vmem>>[vector<16xi32>, vector<16xi32>], vector<16xf32>,
      %parallel_loop3A_81 = arith.maximumf %parallel_loop3A_69, %parallel_loop3A_80 : vector<16xf32>
      %parallel_loop3A_82 = arith.constant 16 : i32
      %parallel_loop3A_83 = vector.broadcast %parallel_loop3A_82 : i32 to vector<16xi32>
      %parallel_loop3A_84 = arith.muli %iota3A, %parallel_loop3A_83 : vector<16xi32>
      %parallel_loop3A_85 = arith.constant 256 : i32
      %parallel_loop3A_86 = arith.muli %parallel_loop3A_43, %parallel_loop3A_85 : i32
      %parallel_loop3A_87 = vector.broadcast %parallel_loop3A_86 : i32 to vector<16xi32>
      %parallel_loop3A_88 = arith.addi %parallel_loop3A_84, %parallel_loop3A_87 : vector<16xi32>
      %parallel_loop3A_89 = arith.constant 3 : i32
      %parallel_loop3A_90 = vector.broadcast %parallel_loop3A_89 : i32 to vector<16xi32>
      %parallel_loop3A_91 = arith.addi %parallel_loop3A_88, %parallel_loop3A_90 : vector<16xi32>
      %parallel_loop3A_92 = tpu.vector_load_idx %arg8[%broadcast_in_dim3A_32, %parallel_loop3A_91] : memref<2x4096xf32, #tpu.memory_space<vmem>>[vector<16xi32>, vector<16xi32>], vector<16xf32>,
      %parallel_loop3A_93 = arith.maximumf %parallel_loop3A_81, %parallel_loop3A_92 : vector<16xf32>
      %parallel_loop3A_94 = arith.constant 16 : i32
      %parallel_loop3A_95 = vector.broadcast %parallel_loop3A_94 : i32 to vector<16xi32>
      %parallel_loop3A_96 = arith.muli %iota3A, %parallel_loop3A_95 : vector<16xi32>
      %parallel_loop3A_97 = arith.constant 256 : i32
      %parallel_loop3A_98 = arith.muli %parallel_loop3A_43, %parallel_loop3A_97 : i32
      %parallel_loop3A_99 = vector.broadcast %parallel_loop3A_98 : i32 to vector<16xi32>
      %parallel_loop3A_100 = arith.addi %parallel_loop3A_96, %parallel_loop3A_99 : vector<16xi32>
      %parallel_loop3A_101 = arith.constant 4 : i32
      %parallel_loop3A_102 = vector.broadcast %parallel_loop3A_101 : i32 to vector<16xi32>
      %parallel_loop3A_103 = arith.addi %parallel_loop3A_100, %parallel_loop3A_102 : vector<16xi32>
      %parallel_loop3A_104 = tpu.vector_load_idx %arg8[%broadcast_in_dim3A_32, %parallel_loop3A_103] : memref<2x4096xf32, #tpu.memory_space<vmem>>[vector<16xi32>, vector<16xi32>], vector<16xf32>,
      %parallel_loop3A_105 = arith.maximumf %parallel_loop3A_93, %parallel_loop3A_104 : vector<16xf32>
      %parallel_loop3A_106 = arith.constant 16 : i32
      %parallel_loop3A_107 = vector.broadcast %parallel_loop3A_106 : i32 to vector<16xi32>
      %parallel_loop3A_108 = arith.muli %iota3A, %parallel_loop3A_107 : vector<16xi32>
      %parallel_loop3A_109 = arith.constant 256 : i32
      %parallel_loop3A_110 = arith.muli %parallel_loop3A_43, %parallel_loop3A_109 : i32
      %parallel_loop3A_111 = vector.broadcast %parallel_loop3A_110 : i32 to vector<16xi32>
      %parallel_loop3A_112 = arith.addi %parallel_loop3A_108, %parallel_loop3A_111 : vector<16xi32>
      %parallel_loop3A_113 = arith.constant 5 : i32
      %parallel_loop3A_114 = vector.broadcast %parallel_loop3A_113 : i32 to vector<16xi32>
      %parallel_loop3A_115 = arith.addi %parallel_loop3A_112, %parallel_loop3A_114 : vector<16xi32>
      %parallel_loop3A_116 = tpu.vector_load_idx %arg8[%broadcast_in_dim3A_32, %parallel_loop3A_115] : memref<2x4096xf32, #tpu.memory_space<vmem>>[vector<16xi32>, vector<16xi32>], vector<16xf32>,
      %parallel_loop3A_117 = arith.maximumf %parallel_loop3A_105, %parallel_loop3A_116 : vector<16xf32>
      %parallel_loop3A_118 = arith.constant 16 : i32
      %parallel_loop3A_119 = vector.broadcast %parallel_loop3A_118 : i32 to vector<16xi32>
      %parallel_loop3A_120 = arith.muli %iota3A, %parallel_loop3A_119 : vector<16xi32>
      %parallel_loop3A_121 = arith.constant 256 : i32
      %parallel_loop3A_122 = arith.muli %parallel_loop3A_43, %parallel_loop3A_121 : i32
      %parallel_loop3A_123 = vector.broadcast %parallel_loop3A_122 : i32 to vector<16xi32>
      %parallel_loop3A_124 = arith.addi %parallel_loop3A_120, %parallel_loop3A_123 : vector<16xi32>
      %parallel_loop3A_125 = arith.constant 6 : i32
      %parallel_loop3A_126 = vector.broadcast %parallel_loop3A_125 : i32 to vector<16xi32>
      %parallel_loop3A_127 = arith.addi %parallel_loop3A_124, %parallel_loop3A_126 : vector<16xi32>
      %parallel_loop3A_128 = tpu.vector_load_idx %arg8[%broadcast_in_dim3A_32, %parallel_loop3A_127] : memref<2x4096xf32, #tpu.memory_space<vmem>>[vector<16xi32>, vector<16xi32>], vector<16xf32>,
      %parallel_loop3A_129 = arith.maximumf %parallel_loop3A_117, %parallel_loop3A_128 : vector<16xf32>
      %parallel_loop3A_130 = arith.constant 16 : i32
      %parallel_loop3A_131 = vector.broadcast %parallel_loop3A_130 : i32 to vector<16xi32>
      %parallel_loop3A_132 = arith.muli %iota3A, %parallel_loop3A_131 : vector<16xi32>
      %parallel_loop3A_133 = arith.constant 256 : i32
      %parallel_loop3A_134 = arith.muli %parallel_loop3A_43, %parallel_loop3A_133 : i32
      %parallel_loop3A_135 = vector.broadcast %parallel_loop3A_134 : i32 to vector<16xi32>
      %parallel_loop3A_136 = arith.addi %parallel_loop3A_132, %parallel_loop3A_135 : vector<16xi32>
      %parallel_loop3A_137 = arith.constant 7 : i32
      %parallel_loop3A_138 = vector.broadcast %parallel_loop3A_137 : i32 to vector<16xi32>
      %parallel_loop3A_139 = arith.addi %parallel_loop3A_136, %parallel_loop3A_138 : vector<16xi32>
      %parallel_loop3A_140 = tpu.vector_load_idx %arg8[%broadcast_in_dim3A_32, %parallel_loop3A_139] : memref<2x4096xf32, #tpu.memory_space<vmem>>[vector<16xi32>, vector<16xi32>], vector<16xf32>,
      %parallel_loop3A_141 = arith.maximumf %parallel_loop3A_129, %parallel_loop3A_140 : vector<16xf32>
      %parallel_loop3A_142 = arith.constant 16 : i32
      %parallel_loop3A_143 = vector.broadcast %parallel_loop3A_142 : i32 to vector<16xi32>
      %parallel_loop3A_144 = arith.muli %iota3A, %parallel_loop3A_143 : vector<16xi32>
      %parallel_loop3A_145 = arith.constant 256 : i32
      %parallel_loop3A_146 = arith.muli %parallel_loop3A_43, %parallel_loop3A_145 : i32
      %parallel_loop3A_147 = vector.broadcast %parallel_loop3A_146 : i32 to vector<16xi32>
      %parallel_loop3A_148 = arith.addi %parallel_loop3A_144, %parallel_loop3A_147 : vector<16xi32>
      %parallel_loop3A_149 = arith.constant 8 : i32
      %parallel_loop3A_150 = vector.broadcast %parallel_loop3A_149 : i32 to vector<16xi32>
      %parallel_loop3A_151 = arith.addi %parallel_loop3A_148, %parallel_loop3A_150 : vector<16xi32>
      %parallel_loop3A_152 = tpu.vector_load_idx %arg8[%broadcast_in_dim3A_32, %parallel_loop3A_151] : memref<2x4096xf32, #tpu.memory_space<vmem>>[vector<16xi32>, vector<16xi32>], vector<16xf32>,
      %parallel_loop3A_153 = arith.maximumf %parallel_loop3A_141, %parallel_loop3A_152 : vector<16xf32>
      %parallel_loop3A_154 = arith.constant 16 : i32
      %parallel_loop3A_155 = vector.broadcast %parallel_loop3A_154 : i32 to vector<16xi32>
      %parallel_loop3A_156 = arith.muli %iota3A, %parallel_loop3A_155 : vector<16xi32>
      %parallel_loop3A_157 = arith.constant 256 : i32
      %parallel_loop3A_158 = arith.muli %parallel_loop3A_43, %parallel_loop3A_157 : i32
      %parallel_loop3A_159 = vector.broadcast %parallel_loop3A_158 : i32 to vector<16xi32>
      %parallel_loop3A_160 = arith.addi %parallel_loop3A_156, %parallel_loop3A_159 : vector<16xi32>
      %parallel_loop3A_161 = arith.constant 9 : i32
      %parallel_loop3A_162 = vector.broadcast %parallel_loop3A_161 : i32 to vector<16xi32>
      %parallel_loop3A_163 = arith.addi %parallel_loop3A_160, %parallel_loop3A_162 : vector<16xi32>
      %parallel_loop3A_164 = tpu.vector_load_idx %arg8[%broadcast_in_dim3A_32, %parallel_loop3A_163] : memref<2x4096xf32, #tpu.memory_space<vmem>>[vector<16xi32>, vector<16xi32>], vector<16xf32>,
      %parallel_loop3A_165 = arith.maximumf %parallel_loop3A_153, %parallel_loop3A_164 : vector<16xf32>
      %parallel_loop3A_166 = arith.constant 16 : i32
      %parallel_loop3A_167 = vector.broadcast %parallel_loop3A_166 : i32 to vector<16xi32>
      %parallel_loop3A_168 = arith.muli %iota3A, %parallel_loop3A_167 : vector<16xi32>
      %parallel_loop3A_169 = arith.constant 256 : i32
      %parallel_loop3A_170 = arith.muli %parallel_loop3A_43, %parallel_loop3A_169 : i32
      %parallel_loop3A_171 = vector.broadcast %parallel_loop3A_170 : i32 to vector<16xi32>
      %parallel_loop3A_172 = arith.addi %parallel_loop3A_168, %parallel_loop3A_171 : vector<16xi32>
      %parallel_loop3A_173 = arith.constant 10 : i32
      %parallel_loop3A_174 = vector.broadcast %parallel_loop3A_173 : i32 to vector<16xi32>
      %parallel_loop3A_175 = arith.addi %parallel_loop3A_172, %parallel_loop3A_174 : vector<16xi32>
      %parallel_loop3A_176 = tpu.vector_load_idx %arg8[%broadcast_in_dim3A_32, %parallel_loop3A_175] : memref<2x4096xf32, #tpu.memory_space<vmem>>[vector<16xi32>, vector<16xi32>], vector<16xf32>,
      %parallel_loop3A_177 = arith.maximumf %parallel_loop3A_165, %parallel_loop3A_176 : vector<16xf32>
      %parallel_loop3A_178 = arith.constant 16 : i32
      %parallel_loop3A_179 = vector.broadcast %parallel_loop3A_178 : i32 to vector<16xi32>
      %parallel_loop3A_180 = arith.muli %iota3A, %parallel_loop3A_179 : vector<16xi32>
      %parallel_loop3A_181 = arith.constant 256 : i32
      %parallel_loop3A_182 = arith.muli %parallel_loop3A_43, %parallel_loop3A_181 : i32
      %parallel_loop3A_183 = vector.broadcast %parallel_loop3A_182 : i32 to vector<16xi32>
      %parallel_loop3A_184 = arith.addi %parallel_loop3A_180, %parallel_loop3A_183 : vector<16xi32>
      %parallel_loop3A_185 = arith.constant 11 : i32
      %parallel_loop3A_186 = vector.broadcast %parallel_loop3A_185 : i32 to vector<16xi32>
      %parallel_loop3A_187 = arith.addi %parallel_loop3A_184, %parallel_loop3A_186 : vector<16xi32>
      %parallel_loop3A_188 = tpu.vector_load_idx %arg8[%broadcast_in_dim3A_32, %parallel_loop3A_187] : memref<2x4096xf32, #tpu.memory_space<vmem>>[vector<16xi32>, vector<16xi32>], vector<16xf32>,
      %parallel_loop3A_189 = arith.maximumf %parallel_loop3A_177, %parallel_loop3A_188 : vector<16xf32>
      %parallel_loop3A_190 = arith.constant 16 : i32
      %parallel_loop3A_191 = vector.broadcast %parallel_loop3A_190 : i32 to vector<16xi32>
      %parallel_loop3A_192 = arith.muli %iota3A, %parallel_loop3A_191 : vector<16xi32>
      %parallel_loop3A_193 = arith.constant 256 : i32
      %parallel_loop3A_194 = arith.muli %parallel_loop3A_43, %parallel_loop3A_193 : i32
      %parallel_loop3A_195 = vector.broadcast %parallel_loop3A_194 : i32 to vector<16xi32>
      %parallel_loop3A_196 = arith.addi %parallel_loop3A_192, %parallel_loop3A_195 : vector<16xi32>
      %parallel_loop3A_197 = arith.constant 12 : i32
      %parallel_loop3A_198 = vector.broadcast %parallel_loop3A_197 : i32 to vector<16xi32>
      %parallel_loop3A_199 = arith.addi %parallel_loop3A_196, %parallel_loop3A_198 : vector<16xi32>
      %parallel_loop3A_200 = tpu.vector_load_idx %arg8[%broadcast_in_dim3A_32, %parallel_loop3A_199] : memref<2x4096xf32, #tpu.memory_space<vmem>>[vector<16xi32>, vector<16xi32>], vector<16xf32>,
      %parallel_loop3A_201 = arith.maximumf %parallel_loop3A_189, %parallel_loop3A_200 : vector<16xf32>
      %parallel_loop3A_202 = arith.constant 16 : i32
      %parallel_loop3A_203 = vector.broadcast %parallel_loop3A_202 : i32 to vector<16xi32>
      %parallel_loop3A_204 = arith.muli %iota3A, %parallel_loop3A_203 : vector<16xi32>
      %parallel_loop3A_205 = arith.constant 256 : i32
      %parallel_loop3A_206 = arith.muli %parallel_loop3A_43, %parallel_loop3A_205 : i32
      %parallel_loop3A_207 = vector.broadcast %parallel_loop3A_206 : i32 to vector<16xi32>
      %parallel_loop3A_208 = arith.addi %parallel_loop3A_204, %parallel_loop3A_207 : vector<16xi32>
      %parallel_loop3A_209 = arith.constant 13 : i32
      %parallel_loop3A_210 = vector.broadcast %parallel_loop3A_209 : i32 to vector<16xi32>
      %parallel_loop3A_211 = arith.addi %parallel_loop3A_208, %parallel_loop3A_210 : vector<16xi32>
      %parallel_loop3A_212 = tpu.vector_load_idx %arg8[%broadcast_in_dim3A_32, %parallel_loop3A_211] : memref<2x4096xf32, #tpu.memory_space<vmem>>[vector<16xi32>, vector<16xi32>], vector<16xf32>,
      %parallel_loop3A_213 = arith.maximumf %parallel_loop3A_201, %parallel_loop3A_212 : vector<16xf32>
      %parallel_loop3A_214 = arith.constant 16 : i32
      %parallel_loop3A_215 = vector.broadcast %parallel_loop3A_214 : i32 to vector<16xi32>
      %parallel_loop3A_216 = arith.muli %iota3A, %parallel_loop3A_215 : vector<16xi32>
      %parallel_loop3A_217 = arith.constant 256 : i32
      %parallel_loop3A_218 = arith.muli %parallel_loop3A_43, %parallel_loop3A_217 : i32
      %parallel_loop3A_219 = vector.broadcast %parallel_loop3A_218 : i32 to vector<16xi32>
      %parallel_loop3A_220 = arith.addi %parallel_loop3A_216, %parallel_loop3A_219 : vector<16xi32>
      %parallel_loop3A_221 = arith.constant 14 : i32
      %parallel_loop3A_222 = vector.broadcast %parallel_loop3A_221 : i32 to vector<16xi32>
      %parallel_loop3A_223 = arith.addi %parallel_loop3A_220, %parallel_loop3A_222 : vector<16xi32>
      %parallel_loop3A_224 = tpu.vector_load_idx %arg8[%broadcast_in_dim3A_32, %parallel_loop3A_223] : memref<2x4096xf32, #tpu.memory_space<vmem>>[vector<16xi32>, vector<16xi32>], vector<16xf32>,
      %parallel_loop3A_225 = arith.maximumf %parallel_loop3A_213, %parallel_loop3A_224 : vector<16xf32>
      %parallel_loop3A_226 = arith.constant 16 : i32
      %parallel_loop3A_227 = vector.broadcast %parallel_loop3A_226 : i32 to vector<16xi32>
      %parallel_loop3A_228 = arith.muli %iota3A, %parallel_loop3A_227 : vector<16xi32>
      %parallel_loop3A_229 = arith.constant 256 : i32
      %parallel_loop3A_230 = arith.muli %parallel_loop3A_43, %parallel_loop3A_229 : i32
      %parallel_loop3A_231 = vector.broadcast %parallel_loop3A_230 : i32 to vector<16xi32>
      %parallel_loop3A_232 = arith.addi %parallel_loop3A_228, %parallel_loop3A_231 : vector<16xi32>
      %parallel_loop3A_233 = arith.constant 15 : i32
      %parallel_loop3A_234 = vector.broadcast %parallel_loop3A_233 : i32 to vector<16xi32>
      %parallel_loop3A_235 = arith.addi %parallel_loop3A_232, %parallel_loop3A_234 : vector<16xi32>
      %parallel_loop3A_236 = tpu.vector_load_idx %arg8[%broadcast_in_dim3A_32, %parallel_loop3A_235] : memref<2x4096xf32, #tpu.memory_space<vmem>>[vector<16xi32>, vector<16xi32>], vector<16xf32>,
      %parallel_loop3A_237 = arith.maximumf %parallel_loop3A_225, %parallel_loop3A_236 : vector<16xf32>
      %parallel_loop3A_238 = arith.constant 16 : i32
      %parallel_loop3A_239 = arith.muli %parallel_loop3A_43, %parallel_loop3A_238 : i32
      %parallel_loop3A_240 = arith.constant 1 : i32
      %parallel_loop3A_241 = arith.index_cast %parallel_loop3A_240 : i32 to index
      %parallel_loop3A_242 = arith.index_cast %parallel_loop3A_239 : i32 to index
      %parallel_loop3A_243 = tpu.vector_load %arg10[%parallel_loop3A_241, %parallel_loop3A_242] {strides = array<i32>} : memref<2x256xf32, #tpu.memory_space<vmem>>, vector<16xf32>,
      tpu.vector_store %arg10[%parallel_loop3A_241, %parallel_loop3A_242], %parallel_loop3A_237 {strides = array<i32>} : memref<2x256xf32, #tpu.memory_space<vmem>>, vector<16xf32>,
    } {sc.loop_unroll_factor = 1 : i64, sc.parallel_access}
    %scan3A_36 = arith.constant 0 : i32
    %scan3A_37 = arith.constant 0 : i32
    %scan3A_38 = arith.constant 16 : i32
    %scan3A_39 = arith.addi %scan3A_37, %scan3A_38 : i32
    %scan3A_40 = arith.constant 1 : i32
    %scan3A_41 = scf.for %scan3A_43 = %scan3A_37 to %scan3A_39 step %scan3A_40 iter_args(%scan3A_44 = %scan3A_36) -> (i32)  : i32 {
      %broadcast_in_dim3A_45 = arith.constant -1.000000e+00 : f32
      %broadcast_in_dim3A_46 = vector.broadcast %broadcast_in_dim3A_45 : f32 to vector<16xf32>
      %scan3A_47 = arith.constant 0 : i32
      %scan3A_48 = arith.constant 16 : i32
      %scan3A_49 = arith.addi %scan3A_47, %scan3A_48 : i32
      %scan3A_50 = arith.constant 1 : i32
      %scan3A_51 = scf.for %scan3A_146 = %scan3A_47 to %scan3A_49 step %scan3A_50 iter_args(%scan3A_147 = %broadcast_in_dim3A_46) -> (vector<16xf32>)  : i32 {
        %mul3A_148 = arith.constant 16 : i32
        %mul3A_149 = arith.muli %scan3A_146, %mul3A_148 : i32
        %get3A_150 = arith.constant 1 : i32
        %get3A_151 = arith.index_cast %get3A_150 : i32 to index
        %get3A_152 = arith.index_cast %mul3A_149 : i32 to index
        %get3A_153 = tpu.vector_load %arg10[%get3A_151, %get3A_152] {strides = array<i32>} : memref<2x256xf32, #tpu.memory_space<vmem>>, vector<16xf32>,
        %max3A = arith.maximumf %scan3A_147, %get3A_153 : vector<16xf32>
        scf.yield %max3A : vector<16xf32>
      }
      %scan3A_52 = arith.constant 16 : i32
      %reduce_max3A = arith.constant true
      %reduce_max3A_53 = vector.broadcast %reduce_max3A : i1 to vector<16xi1>
      %reduce_max3A_54 = tpu.scan <max>, %scan3A_51 masked %reduce_max3A_53 : vector<16xf32>, vector<16xi1> -> vector<16xf32>
      %reduce_max3A_55 = vector.extract %reduce_max3A_54[15] : f32 from vector<16xf32>
      %broadcast_in_dim3A_56 = arith.constant 256 : i32
      %broadcast_in_dim3A_57 = vector.broadcast %broadcast_in_dim3A_56 : i32 to vector<16xi32>
      %scan3A_58 = arith.constant 0 : i32
      %scan3A_59 = arith.constant 16 : i32
      %scan3A_60 = arith.addi %scan3A_58, %scan3A_59 : i32
      %scan3A_61 = arith.constant 1 : i32
      %scan3A_62 = scf.for %scan3A_146 = %scan3A_58 to %scan3A_60 step %scan3A_61 iter_args(%scan3A_147 = %broadcast_in_dim3A_57) -> (vector<16xi32>)  : i32 {
        %mul3A_148 = arith.constant 16 : i32
        %mul3A_149 = arith.muli %scan3A_146, %mul3A_148 : i32
        %get3A_150 = arith.constant 1 : i32
        %get3A_151 = arith.index_cast %get3A_150 : i32 to index
        %get3A_152 = arith.index_cast %mul3A_149 : i32 to index
        %get3A_153 = tpu.vector_load %arg10[%get3A_151, %get3A_152] {strides = array<i32>} : memref<2x256xf32, #tpu.memory_space<vmem>>, vector<16xf32>,
        %eq3A_154 = vector.broadcast %reduce_max3A_55 : f32 to vector<16xf32>
        %eq3A_155 = arith.cmpf oeq, %get3A_153, %eq3A_154 : vector<16xf32>
        %mul3A_156 = arith.constant 16 : i32
        %mul3A_157 = arith.muli %scan3A_146, %mul3A_156 : i32
        %add3A_158 = vector.broadcast %mul3A_157 : i32 to vector<16xi32>
        %add3A_159 = arith.addi %iota3A, %add3A_158 : vector<16xi32>
        %jit3A_160 = arith.constant 256 : i32
        %broadcast_in_dim3A_161 = vector.broadcast %jit3A_160 : i32 to vector<16xi32>
        %select_n3A_162 = arith.select %eq3A_155, %add3A_159, %broadcast_in_dim3A_161 : vector<16xi1>, vector<16xi32>
        %min3A = arith.minsi %scan3A_147, %select_n3A_162 : vector<16xi32>
        scf.yield %min3A : vector<16xi32>
      }
      %scan3A_63 = arith.constant 16 : i32
      %reduce_min3A = arith.constant true
      %reduce_min3A_64 = vector.broadcast %reduce_min3A : i1 to vector<16xi1>
      %reduce_min3A_65 = arith.constant -2147483648 : i32
      %reduce_min3A_66 = vector.broadcast %reduce_min3A_65 : i32 to vector<16xi32>
      %reduce_min3A_67 = arith.xori %scan3A_62, %reduce_min3A_66 : vector<16xi32>
      %reduce_min3A_68 = tpu.scan <min>, %reduce_min3A_67 masked %reduce_min3A_64 : vector<16xi32>, vector<16xi1> -> vector<16xi32>
      %reduce_min3A_69 = arith.xori %reduce_min3A_68, %reduce_min3A_66 : vector<16xi32>
      %reduce_min3A_70 = vector.extract %reduce_min3A_69[15] : i32 from vector<16xi32>
      %mul3A_71 = arith.constant 16 : i32
      %mul3A_72 = arith.muli %reduce_min3A_70, %mul3A_71 : i32
      %get3A = arith.constant 1 : i32
      %get3A_73 = arith.index_cast %get3A : i32 to index
      %get3A_74 = arith.index_cast %mul3A_72 : i32 to index
      %get3A_75 = tpu.vector_load %arg8[%get3A_73, %get3A_74] {strides = array<i32>} : memref<2x4096xf32, #tpu.memory_space<vmem>>, vector<16xf32>,
      %eq3A = vector.broadcast %reduce_max3A_55 : f32 to vector<16xf32>
      %eq3A_76 = arith.cmpf oeq, %get3A_75, %eq3A : vector<16xf32>
      %jit3A = arith.constant 16 : i32
      %broadcast_in_dim3A_77 = vector.broadcast %jit3A : i32 to vector<16xi32>
      %select_n3A = arith.select %eq3A_76, %iota3A, %broadcast_in_dim3A_77 : vector<16xi1>, vector<16xi32>
      %reduce_min3A_78 = arith.constant true
      %reduce_min3A_79 = vector.broadcast %reduce_min3A_78 : i1 to vector<16xi1>
      %reduce_min3A_80 = arith.constant -2147483648 : i32
      %reduce_min3A_81 = vector.broadcast %reduce_min3A_80 : i32 to vector<16xi32>
      %reduce_min3A_82 = arith.xori %select_n3A, %reduce_min3A_81 : vector<16xi32>
      %reduce_min3A_83 = tpu.scan <min>, %reduce_min3A_82 masked %reduce_min3A_79 : vector<16xi32>, vector<16xi1> -> vector<16xi32>
      %reduce_min3A_84 = arith.xori %reduce_min3A_83, %reduce_min3A_81 : vector<16xi32>
      %reduce_min3A_85 = vector.extract %reduce_min3A_84[15] : i32 from vector<16xi32>
      %eq3A_86 = vector.broadcast %reduce_min3A_85 : i32 to vector<16xi32>
      %eq3A_87 = arith.cmpi eq, %iota3A, %eq3A_86 : vector<16xi32>
      %broadcast_in_dim3A_88 = vector.broadcast %reduce_max3A_55 : f32 to vector<16xf32>
      %sub3A = arith.constant 1.000000e+00 : f32
      %sub3A_89 = vector.broadcast %sub3A : f32 to vector<16xf32>
      %sub3A_90 = arith.subf %sub3A_89, %broadcast_in_dim3A_88 : vector<16xf32>
      %add3A_91 = arith.addf %sub3A_90, %broadcast_in_dim3A_88 : vector<16xf32>
      %get3A_92 = arith.constant 1 : i32
      %get3A_93 = arith.index_cast %get3A_92 : i32 to index
      %get3A_94 = arith.index_cast %mul3A_72 : i32 to index
      %get3A_95 = tpu.vector_load %arg9[%get3A_93, %get3A_94] {strides = array<i32>} : memref<2x4096xf32, #tpu.memory_space<vmem>>, vector<16xf32>,
      %select_n3A_96 = arith.select %eq3A_87, %add3A_91, %get3A_95 : vector<16xi1>, vector<16xf32>
      %swap3A = arith.constant 1 : i32
      %swap3A_97 = arith.index_cast %swap3A : i32 to index
      %swap3A_98 = arith.index_cast %mul3A_72 : i32 to index
      %swap3A_99 = tpu.vector_load %arg9[%swap3A_97, %swap3A_98] {strides = array<i32>} : memref<2x4096xf32, #tpu.memory_space<vmem>>, vector<16xf32>,
      tpu.vector_store %arg9[%swap3A_97, %swap3A_98], %select_n3A_96 {strides = array<i32>} : memref<2x4096xf32, #tpu.memory_space<vmem>>, vector<16xf32>,
      %jit3A_100 = arith.constant -1.000000e+00 : f32
      %broadcast_in_dim3A_101 = vector.broadcast %jit3A_100 : f32 to vector<16xf32>
      %select_n3A_102 = arith.select %eq3A_87, %broadcast_in_dim3A_101, %get3A_75 : vector<16xi1>, vector<16xf32>
      %swap3A_103 = arith.constant 1 : i32
      %swap3A_104 = arith.index_cast %swap3A_103 : i32 to index
      %swap3A_105 = arith.index_cast %mul3A_72 : i32 to index
      %swap3A_106 = tpu.vector_load %arg8[%swap3A_104, %swap3A_105] {strides = array<i32>} : memref<2x4096xf32, #tpu.memory_space<vmem>>, vector<16xf32>,
      tpu.vector_store %arg8[%swap3A_104, %swap3A_105], %select_n3A_102 {strides = array<i32>} : memref<2x4096xf32, #tpu.memory_space<vmem>>, vector<16xf32>,
      %reduce_max3A_107 = arith.constant true
      %reduce_max3A_108 = vector.broadcast %reduce_max3A_107 : i1 to vector<16xi1>
      %reduce_max3A_109 = tpu.scan <max>, %select_n3A_102 masked %reduce_max3A_108 : vector<16xf32>, vector<16xi1> -> vector<16xf32>
      %reduce_max3A_110 = vector.extract %reduce_max3A_109[15] : f32 from vector<16xf32>
      %jit3A_111 = arith.constant 16 : i32
      %div3A = arith.divsi %reduce_min3A_70, %jit3A_111 : i32
      %sign3A = arith.constant 0 : i32
      %sign3A_112 = arith.cmpi sgt, %reduce_min3A_70, %sign3A : i32
      %sign3A_113 = arith.extui %sign3A_112 : i1 to i32
      %sign3A_114 = arith.constant 0 : i32
      %sign3A_115 = arith.cmpi slt, %reduce_min3A_70, %sign3A_114 : i32
      %sign3A_116 = arith.extui %sign3A_115 : i1 to i32
      %sign3A_117 = arith.subi %sign3A_113, %sign3A_116 : i32
      %sign3A_118 = arith.constant 0 : i32
      %sign3A_119 = arith.cmpi sgt, %jit3A_111, %sign3A_118 : i32
      %sign3A_120 = arith.extui %sign3A_119 : i1 to i32
      %sign3A_121 = arith.constant 0 : i32
      %sign3A_122 = arith.cmpi slt, %jit3A_111, %sign3A_121 : i32
      %sign3A_123 = arith.extui %sign3A_122 : i1 to i32
      %sign3A_124 = arith.subi %sign3A_120, %sign3A_123 : i32
      %ne3A = arith.cmpi ne, %sign3A_117, %sign3A_124 : i32
      %rem3A = arith.remsi %reduce_min3A_70, %jit3A_111 : i32
      %ne3A_125 = arith.constant 0 : i32
      %ne3A_126 = arith.cmpi ne, %rem3A, %ne3A_125 : i32
      %and3A = arith.andi %ne3A, %ne3A_126 : i1
      %sub3A_127 = arith.constant 1 : i32
      %sub3A_128 = arith.subi %div3A, %sub3A_127 : i32
      %select_n3A_129 = arith.select %and3A, %sub3A_128, %div3A : i32
      %mul3A_130 = arith.constant 16 : i32
      %mul3A_131 = arith.muli %select_n3A_129, %mul3A_130 : i32
      %sub3A_132 = arith.subi %reduce_min3A_70, %mul3A_131 : i32
      %eq3A_133 = vector.broadcast %sub3A_132 : i32 to vector<16xi32>
      %eq3A_134 = arith.cmpi eq, %iota3A, %eq3A_133 : vector<16xi32>
      %get3A_135 = arith.constant 1 : i32
      %get3A_136 = arith.index_cast %get3A_135 : i32 to index
      %get3A_137 = arith.index_cast %mul3A_131 : i32 to index
      %get3A_138 = tpu.vector_load %arg10[%get3A_136, %get3A_137] {strides = array<i32>} : memref<2x256xf32, #tpu.memory_space<vmem>>, vector<16xf32>,
      %broadcast_in_dim3A_139 = vector.broadcast %reduce_max3A_110 : f32 to vector<16xf32>
      %select_n3A_140 = arith.select %eq3A_134, %broadcast_in_dim3A_139, %get3A_138 : vector<16xi1>, vector<16xf32>
      %swap3A_141 = arith.constant 1 : i32
      %swap3A_142 = arith.index_cast %swap3A_141 : i32 to index
      %swap3A_143 = arith.index_cast %mul3A_131 : i32 to index
      %swap3A_144 = tpu.vector_load %arg10[%swap3A_142, %swap3A_143] {strides = array<i32>} : memref<2x256xf32, #tpu.memory_space<vmem>>, vector<16xf32>,
      tpu.vector_store %arg10[%swap3A_142, %swap3A_143], %select_n3A_140 {strides = array<i32>} : memref<2x256xf32, #tpu.memory_space<vmem>>, vector<16xf32>,
      %scan3A_145 = arith.constant 0 : i32
      scf.yield %scan3A_145 : i32
    }
    %scan3A_42 = arith.constant 16 : i32
    "tpu.region"() ({
      %run_scoped3A = tpu.sem_alloc : memref<!tpu.dma_semaphore, #tpu.memory_space<semaphore_mem>>
      %dma_start3A = arith.constant 0 : i32
      %dma_start3A_43 = tpu.memref_slice %arg4[%mul3A_2, %dma_start3A] : memref<64x4096xf32, #tpu.memory_space<hbm>> -> memref<2x4096xf32, #tpu.memory_space<hbm>>
      %dma_start3A_44 = arith.constant 0 : i32
      %dma_start3A_45 = tpu.memref_slice %arg4[%mul3A_2, %dma_start3A_44] : memref<64x4096xf32, #tpu.memory_space<hbm>> -> memref<2x4096xf32, #tpu.memory_space<hbm>>
      tpu.enqueue_dma source(%arg9 : memref<2x4096xf32, #tpu.memory_space<vmem>>) target(%dma_start3A_45 : memref<2x4096xf32, #tpu.memory_space<hbm>>) target_semaphore(%run_scoped3A : memref<!tpu.dma_semaphore, #tpu.memory_space<semaphore_mem>>)
      %dma_wait3A = arith.constant 0 : i32
      %dma_wait3A_46 = tpu.memref_slice %arg4[%mul3A_2, %dma_wait3A] : memref<64x4096xf32, #tpu.memory_space<hbm>> -> memref<2x4096xf32, #tpu.memory_space<hbm>>
      %dma_wait3A_47 = arith.constant 0 : i32
      %dma_wait3A_48 = tpu.memref_slice %arg4[%mul3A_2, %dma_wait3A_47] : memref<64x4096xf32, #tpu.memory_space<hbm>> -> memref<2x4096xf32, #tpu.memory_space<hbm>>
      tpu.wait_dma2 semaphore(%run_scoped3A : memref<!tpu.dma_semaphore, #tpu.memory_space<semaphore_mem>>) src(%arg9 : memref<2x4096xf32, #tpu.memory_space<vmem>>) dst(%dma_wait3A_48 : memref<2x4096xf32, #tpu.memory_space<hbm>>)
      tpu.yield
    }) : () -> ()
    return
  }
}

</mosaic_0001>

<sc_bundles>
// kernel: kernel.3.cloned.1.call-start
scs
__scs_entry_jumppad:
0x0: {  	(pc) =	sbr.rel $0x88, $3  }
0x1: {  	(tag) =	ssettag $0x0;
	lr =	simm.s32 $0x1  }
0x2: {  	[smem:$0x3F9F] =	sst lr;
	_ =	strace $0xD0000000  }
0x3: {  	_ = 	snop  }
0x4: {  	_ = 	snop  }
0x5: {  	_ = 	snop  }
0x6: {  	_ = 	snop  }
0x7: {  	_ = 	snop  }
__scs_overlays_trampoline_lowered:
0x8: {  	[smem:$0x3FAE] =	sst s0  }
0x9: {  	[smem:$0x3FAF] =	sst s1  }
0xa: {  	[smem:$0x3FB0] =	sst s2  }
0xb: {  	[smem:$0x3FB1] =	sst s3  }
0xc: {  	[smem:$0x3FB2] =	sst s4  }
0xd: {  	[smem:$0x3FB3] =	sst s5  }
0xe: {  	[smem:$0x3FB4] =	sst s6  }
0xf: {  	[smem:$0x3FB5] =	sst s7  }
0x10: {  	[smem:$0x3FB6] =	sst s8  }
0x11: {  	[smem:$0x3FB7] =	sst s9;
	s0 =	simm.s32 @!p0 $0x0  }
0x12: {  	s1 =	sld [smem:$0x3F9D];
	s0 =	simm.s32 @p0 $0x1  }
0x13: {  	[smem:$0x3FB8] =	sst s0;
	s0 =	simm.s32 @!p1 $0x0  }
0x14: {  	s2 =	sld [smem:$0x3F9C];
	s0 =	simm.s32 @p1 $0x1  }
0x15: {  	[smem:$0x3FB9] =	sst s0;
	s0 =	simm.s32 @!p2 $0x0  }
0x16: {  	s3 =	sld [smem:$0x3FDB];
	s0 =	simm.s32 @p2 $0x1  }
0x17: {  	s4 =	simm.s32 $0x1BF5;
	[smem:$0x3FBB] =	sst s0  }
0x18: {  	s0 =	sld [smem:$0x3F9E];
	_ =	swait.ge [sflag:s4], $0x0  }
0x19: {  	s7 =	sld [smem:$0x3F9F]  }
0x1a: {  	s8 =	sadd.s32 $0xFFFFE003, lr  }
0x1b: {  	s9 =	sadd.s32 $0xFFFFFEF7, lr;
	s5 =	simm.s32 $0xFFFFFFFF;
	p2 =	slt.u32 s8, $0xFFFFF086  }
0x1c: {  	p1 =	slt.u32 s9, $0xF7A;
	s5 =	simm.s32 @!p2 $0x0  }
0x1d: {  	s5 =	simm.s32 @p1 $0x1;
	p0 =	seq.s32 s7, s2  }
0x1e: {  	s7 =	smul.u32 @!p0 $0xF7A, s2;
	p2 =	seq.s32 @!p0 s5, $0x0  }
0x1f: {  	s9 =	smul.u32 $0xF7A, s1;
	s8 =	simm.s32 @!p0 $0x1BF5;
	p2 =	por !p2, p0  }
0x20: {  	[sflag:s8] =	ssyncset.s32 @!p0 $0xFFFFF086;
	s6 =	sadd.s32 @!p0 s3, s7;
	s7 =	simm.s32 @!p0 $0x108  }
0x21: {  	s3 =	sadd.s32 s3, s9;
	s6 =	sadd.s32 @!p0 $0x88, s6;
	s7 =	simm.s32 @p2 $0x1082  }
0x22: {  	[simem:s7], [sflag:s8] =	dma.local @!p0 [hbm:s6], $0xF7A  }
0x23: {  	s9 =	sor.u32 $0xD0000000, s2;
	s6 =	simm.s32 $0x108;
	_ =	swait.ge @!p0 [sflag:s8], $0x0  }
0x24: {  	s3 =	sadd.s32 $0x88, s3;
	s6 =	simm.s32 @!p1 $0x1082;
	[sflag:s4] =	ssyncset.s32 $0xFFFFF086  }
0x25: {  	[simem:s6], [sflag:s4] =	dma.local [hbm:s3], $0xF7A  }
0x26: {  	[smem:$0x3F9F] =	sst s1;
	(tag) =	ssettag s2;
	_ =	strace s9  }
0x27: {  	s1 =	sld [smem:$0x3FAF]  }
0x28: {  	s2 =	sld [smem:$0x3FB0]  }
0x29: {  	s4 =	sld [smem:$0x3FB2]  }
0x2a: {  	p0 =	seq.s32 s5, $0x0;
	s5 =	sld [smem:$0x3FB3]  }
0x2b: {  	s6 =	sld [smem:$0x3FB4]  }
0x2c: {  	s7 =	sld [smem:$0x3FB5]  }
0x2d: {  	s3 =	simm.s32 $0x108;
	s8 =	sld [smem:$0x3FB6]  }
0x2e: {  	s3 =	simm.s32 @!p0 $0x1082;
	s9 =	sld [smem:$0x3FB7]  }
0x2f: {  	lr =	sadd.s32 s0, s3;
	s0 =	sld [smem:$0x3FAE]  }
0x30: {  	s3 =	sld [smem:$0x3FB1]  }
0x31: {  	[smem:$0x3FBA] =	sst s10  }
0x32: {  	s10 =	sld [smem:$0x3FB8];
	_ =	sdelay $0x3  }
0x33: {  	p0 =	seq.s32 s10, $0x1;
	s10 =	sld [smem:$0x3FBA];
	_ =	sdelay $0x3  }
0x34: {  	[smem:$0x3FBA] =	sst s10  }
0x35: {  	s10 =	sld [smem:$0x3FB9];
	_ =	sdelay $0x3  }
0x36: {  	p1 =	seq.s32 s10, $0x1;
	s10 =	sld [smem:$0x3FBA];
	_ =	sdelay $0x3  }
0x37: {  	[smem:$0x3FBA] =	sst s10  }
0x38: {  	s10 =	sld [smem:$0x3FBB]  }
0x39: {  	_ = 	snop;
	(pc) =	sbr.ind lr, $3  }
0x3a: {  	_ = 	snop  }
0x3b: {  	_ = 	snop  }
0x3c: {  	p2 =	seq.s32 s10, $0x1;
	s10 =	sld [smem:$0x3FBA]  }
0x3d: {  	_ =	shalt  }
0x3e: {  	_ =	shalt  }
0x3f: {  	_ =	shalt  }
0x40: {  	_ =	shalt  }
0x41: {  	_ =	shalt  }
0x42: {  	_ =	shalt  }
0x43: {  	_ =	shalt  }
0x44: {  	_ =	shalt  }
0x45: {  	_ =	shalt  }
0x46: {  	_ =	shalt  }
0x47: {  	_ =	shalt  }
0x48: {  	_ =	shalt  }
0x49: {  	_ =	shalt  }
0x4a: {  	_ =	shalt  }
0x4b: {  	_ =	shalt  }
0x4c: {  	_ =	shalt  }
0x4d: {  	_ =	shalt  }
0x4e: {  	_ =	shalt  }
0x4f: {  	_ =	shalt  }
0x50: {  	_ =	shalt  }
0x51: {  	_ =	shalt  }
0x52: {  	_ =	shalt  }
0x53: {  	_ =	shalt  }
0x54: {  	_ =	shalt  }
0x55: {  	_ =	shalt  }
0x56: {  	_ =	shalt  }
0x57: {  	_ =	shalt  }
0x58: {  	_ =	shalt  }
0x59: {  	_ =	shalt  }
0x5a: {  	_ =	shalt  }
0x5b: {  	_ =	shalt  }
0x5c: {  	_ =	shalt  }
0x5d: {  	_ =	shalt  }
0x5e: {  	_ =	shalt  }
0x5f: {  	_ =	shalt  }
0x60: {  	_ =	shalt  }
0x61: {  	_ =	shalt  }
0x62: {  	_ =	shalt  }
0x63: {  	_ =	shalt  }
0x64: {  	_ =	shalt  }
0x65: {  	_ =	shalt  }
0x66: {  	_ =	shalt  }
0x67: {  	_ =	shalt  }
0x68: {  	_ =	shalt  }
0x69: {  	_ =	shalt  }
0x6a: {  	_ =	shalt  }
0x6b: {  	_ =	shalt  }
0x6c: {  	_ =	shalt  }
0x6d: {  	_ =	shalt  }
0x6e: {  	_ =	shalt  }
0x6f: {  	_ =	shalt  }
0x70: {  	_ =	shalt  }
0x71: {  	_ =	shalt  }
0x72: {  	_ =	shalt  }
0x73: {  	_ =	shalt  }
0x74: {  	_ =	shalt  }
0x75: {  	_ =	shalt  }
0x76: {  	_ =	shalt  }
0x77: {  	_ =	shalt  }
0x78: {  	_ =	shalt  }
0x79: {  	_ =	shalt  }
0x7a: {  	_ =	shalt  }
0x7b: {  	_ =	shalt  }
0x7c: {  	_ =	shalt  }
0x7d: {  	_ =	shalt  }
0x7e: {  	_ =	shalt  }
0x7f: {  	_ =	shalt  }
0x80: {  	_ =	shalt  }
0x81: {  	_ =	shalt  }
0x82: {  	_ =	shalt  }
0x83: {  	_ =	shalt  }
0x84: {  	_ =	shalt  }
0x85: {  	_ =	shalt  }
0x86: {  	_ =	shalt  }
0x87: {  	_ =	shalt  }
.Lfunc_end0:
.L_simem_size_0:
called_computation_lowered:
.L_overlay_start_0:
0x88: {  	s2 =	sld [smem:$0x3FD9]  }
0x89: {  	s3 =	sld [smem:$0x3FFE];
	_ =	sdelay $0x1  }
0x8a: {  	s1 =	srdreg.scid  }
0x8b: {  	s0 =	sand.u32 $0x1, s1  }
0x8c: {  	s18 =	sshll.u32 s0, $0xA;
	s2 =	sadd.s32 s3, s2  }
0x8d: {  	s2 =	sadd.s32 s2, s18  }
0x8e: {  	[smem:$0x3FC6] =	sst s2  }
0x8f: {  	_ = 	snop  }
0x90: {  	s2 =	sld [smem:$0x3FC9]  }
0x91: {  	s19 =	sld [smem:$0x3FC8]  }
0x92: {  	s4 =	sld [smem:$0x3FD0];
	(tm) =	ssettm $0x1  }
0x93: {  	s5 =	sld [smem:$0x3FFB];
	_ =	sdelay $0x3  }
0x94: {  	_ =	strace s5  }
0x95: {  	s5 =	sld [smem:$0x3FFC];
	_ =	sdelay $0x3  }
0x96: {  	_ =	strace s5  }
0x97: {  	s5 =	sld [smem:$0x3FFD];
	_ =	sdelay $0x3  }
0x98: {  	_ =	strace s5  }
0x99: {  	_ =	strace $0x8FFFFFFF  }
0x9a: {  	s20 =	sld [smem:$0x3FDB];
	_ =	sdelay $0x1  }
0x9b: {  	s6 =	simm.s32 $_scs_section_size  }
0x9c: {  	s7 =	simm.s32 $_size__tile_overlayer_lowered;
	s8 =	simm.s32 $_tile_overlayer_lowered  }
0x9d: {  	s23 =	simm.s32 $0x1BFF;
	s22 =	sshll.u32 s8, $0x1;
	s5 =	sadd.s32 s6, s20  }
0x9e: {  	s9 =	simm.s32 $0x0;
	s21 =	sshll.u32 s7, $0x1;
	s7 =	sadd.s32 s22, s5  }
0x9f: {  	[timem:s9], [sflag:s23] =	dma.local [hbm:s7], s21  }
0xa0: {  	_ =	swait.ge [sflag:s23], s21  }
0xa1: {  	s6 =	ssub.s32 $0x0, s21;
	[sflag:s23] =	ssyncset.done $0x0  }
0xa2: {  	[sflag:s23] =	ssyncadd.s32 s6;
	_ =	sdelay $0x1  }
0xa3: {  	s24 =	simm.s32 $0x1B8B  }
0xa4: {  	_ =	swait.ge [sflag:s24], $0x1  }
0xa5: {  	[sflag:s24] =	ssyncset.done $0x0  }
0xa6: {  	s25 =	simm.s32 $0x1B8E;
	[sflag:s24] =	ssyncadd.s32 $0xFFFFFFFF  }
0xa7: {  	s26 =	simm.s32 $execute0_lowered;
	[smem:$0x3FD2] =	sst s25  }
0xa8: {  	s6 =	sshll.u32 s26, $0x1;
	_ =	strace $0x80000046;
	[dreg:$0x1] =	wrdreg $0xFFFFFFFF  }
0xa9: {  	s28 =	simm.s32 $_size_execute0_lowered;
	s5 =	sadd.s32 s5, s6;
	[dreg:$0x0] =	wrdreg $0x0  }
0xaa: {  	s6 =	sshll.u32 s28, $0x1;
	[dreg:$0x2] =	wrdreg s5  }
0xab: {  	[dreg:$0x3] =	wrdreg s6  }
0xac: {  	[dreg:$0x4] =	wrdreg $0xC0  }
0xad: {  	_ =	task [dreg:s9], $0x5FFFF  }
0xae: {  	[dreg:$0x1] =	wrdreg $0xFFFFFFFF  }
0xaf: {  	[dreg:$0x0] =	wrdreg $0x60  }
0xb0: {  	[dreg:$0x2] =	wrdreg s2  }
0xb1: {  	[dreg:$0x3] =	wrdreg s19  }
0xb2: {  	[dreg:$0x4] =	wrdreg s4  }
0xb3: {  	[dreg:$0x5] =	wrdreg $0x9  }
0xb4: {  	_ =	task.clear_ibuf [dreg:s9], $0x6FFFF;
	_ =	strace $0x90000046  }
0xb5: {  	s29 =	simm.s32 $0x9;
	_ =	strace $0x80000048  }
0xb6: {  	_ =	swait.ge [sflag:s29], $0x1  }
0xb7: {  	[sflag:s29] =	ssyncadd.s32 $0xFFFFFFFF  }
0xb8: {  	_ =	strace $0x90000048  }
0xb9: {  	_ =	sfence  }
0xba: {  	s30 =	sld [smem:$0x0];
	_ =	sdelay $0x2  }
0xbb: {  	s31 =	sshll.u32 s1, $0xD;
	s1 =	sshrl.u32 s1, $0x2  }
0xbc: {  	s3 =	sand.u32 $0x4000, s31;
	s1 =	sadd.s32 s1, s30  }
0xbd: {  	s0 =	sor.u32 s3, s0;
	s1 =	sshll.u32 s1, $0x11  }
0xbe: {  	s0 =	sor.u32 s1, s0  }
0xbf: {  	s0 =	sadd.s32 $0x8F2B, s0  }
0xc0: {  	[sflag:s0] =	ssyncadd.remote.s32 $0x1  }
0xc1: {  	_ =	sfence.sel $0xFFFF  }
0xc2: {  	[dreg:$0x0] =	wrdreg $0xFFFFFFFF;
	(pc) =	sbr.abs _section_cstart, $3  }
0xc3: {  	[dreg:$0x1] =	wrdreg $0xFFFFFFFF  }
0xc4: {  	_ =	task.clear_ibuf [dreg:s9], $0x2FFFF;
	_ =	strace $0x9FFFFFFF  }
0xc5: {  	(tm) =	ssettm $0x7FFFFFFF  }
tec
execute0_lowered:
.L_overlay_start_1:
0x0: {  	(tag) =	ssettag $0x1  }
0x1: {  	s0 =	rddreg [dreg:$0x0]  }
0x2: {  	s4 =	rddreg [dreg:$0x1]  }
0x3: {  	s5 =	rddreg [dreg:$0x2];
	v0 =	vlaneseq.u32;
	s2 =	simm.s32 $0x0  }
0x4: {  	s3 =	srdreg.scid;
	s1 =	stileid.u32;
	s9 =	simm.s32 $0x1;
	v1 =	vand.u32 $0x7, v0  }
0x5: {  	s11 =	simm.s32 $0x6000;
	s13 =	simm.s32 $0x0;
	[smem:$0x7FF] =	sst s2;
	v1 =	vmul.u32 $0x10, v1  }
0x6: {  	v2 =	vimm.f32 $0.0e+00;
	s3 =	sand.u32 $0x1, s3;
	s6 =	sshll.u32 s1, $0xA;
	s8 =	sshll.u32 s1, $0x5;
	v3 =	vmul.u32 $0x20, v0;
	v19 =	vor.u32 $0x80000000, v0  }
0x7: {  	s7 =	sshll.u32 s3, $0xE;
	s6 =	sand.u32 $0x3000, s6;
	s3 =	ssub.s32 $0x2, s3;
	v4 =	vor.u32 $0x1, v1;
	v5 =	vor.u32 $0x2, v1;
	v6 =	vor.u32 $0x3, v1  }
0x8: {  	s29 =	sand.u32 $0x60, s8;
	_ =	strace $0x80000047;
	s6 =	sor.u32 s7, s6;
	v7 =	vor.u32 $0x4, v1;
	v8 =	vor.u32 $0x5, v1;
	v9 =	vor.u32 $0x6, v1  }
0x9: {  	s8 =	simm.s32 $0x400;
	s30 =	sshrl.u32 s3, $0x1;
	s6 =	sor.u32 s29, s6;
	v10 =	vor.u32 $0x7, v1;
	v11 =	vor.u32 $0x8, v1;
	v12 =	vor.u32 $0x9, v1  }
0xa: {  	s7 =	simm.s32 $0x100;
	s31 =	ssub.s32 s3, s30;
	v13 =	vor.u32 $0xA, v1;
	v14 =	vor.u32 $0xB, v1;
	v15 =	vor.u32 $0xC, v1;
	s3 =	sadd.s32 s0, s6  }
0xb: {  	v16 =	vor.u32 $0xD, v1;
	v17 =	vor.u32 $0xE, v1;
	v18 =	vor.u32 $0xF, v1;
	s4 =	sadd.s32 s4, s6;
	s5 =	sadd.s32 s5, s6;
	s6 =	smax.u32 s31, $0x1  }
.LBB2_1:
0xc: {  	[tilespmem:s2], [sflag:$0x1] =	stream.strided.gather [hbm4b:s3+s7], $0x2000, s8, s7, $0x38;
	[tilespmem:$0xA200] =	vst v63  }
0xd: {  	_ =	swait.ge [sflag:s9], $0x2000  }
0xe: {  	[sflag:s9] =	ssyncset.done $0x0  }
0xf: {  	s0 =	simm.s32 $0x2000;
	[sflag:s9] =	ssyncadd.s32 $0xFFFFE000  }
0x10: {  	[tilespmem:s0], [sflag:$0x1] =	stream.strided.gather [hbm4b:s4+s7], $0x2000, s8, s7, $0x38;
	[tilespmem:$0xA200] =	vst v63  }
0x11: {  	_ =	swait.ge [sflag:s9], $0x2000  }
0x12: {  	s15 =	sand.u32 $0x40, s2;
	s17 =	sand.u32 $0x1F00, s2;
	[sflag:s9] =	ssyncset.done $0x0  }
0x13: {  	s15 =	sor.u32 s15, s17;
	[sflag:s9] =	ssyncadd.s32 $0xFFFFE000  }
0x14: {  	p0 =	por $0x0, $0x0;
	s0 =	simm.s32 $0x1;
	v24 =	vld [tilespmem:s15+$0x10]  }
0x15: {  	s0 =	simm.s32 @!p0 $0x0;
	v25 =	vld [tilespmem:s15+$0x30]  }
0x16: {  	s0 =	sshll.u32 s0, $0x6;
	v26 =	vld [tilespmem:s15+$0x2010]  }
0x17: {  	s0 =	sadd.s32 $0x0, s0;
	v27 =	vld [tilespmem:s15+$0x2030]  }
0x18: {  	s14 =	sadd.s32 $0x10, s0;
	v28 =	vld [tilespmem:s15+$0x20]  }
0x19: {  	v29 =	vld [tilespmem:s15+$0x2000];
	s14 =	sor.u32 $0x80, s14  }
0x1a: {  	v21 =	vld [tilespmem:s14+$0x0]  }
0x1b: {  	v23 =	vld [tilespmem:s14+$0x2000]  }
0x1c: {  	s16 =	sor.u32 $0x80, s0;
	v30 =	vld [tilespmem:s15+$0x0]  }
0x1d: {  	v20 =	vld [tilespmem:s16+$0x0]  }
0x1e: {  	s30 =	sadd.s32 $0x20, s0;
	v22 =	vld [tilespmem:s16+$0x2000]  }
0x1f: {  	s17 =	sor.u32 $0x80, s30;
	v24 =	vadd.f32 v26, v24;
	v26 =	vld [tilespmem:s15+$0x2020]  }
0x20: {  	v31 =	vld [tilespmem:s17+$0x2000];
	v21 =	vadd.f32 v23, v21  }
0x21: {  	s0 =	sadd.s32 $0x30, s0;
	v23 =	vld [tilespmem:s17+$0x0];
	v24 =	vmul.f32 $1.442695020e+00, v24  }
0x22: {  	s25 =	sor.u32 $0x80, s0;
	v25 =	vadd.f32 v27, v25;
	v21 =	vmul.f32 $1.442695020e+00, v21  }
0x23: {  	v27 =	vld [tilespmem:s25+$0x2000];
	v29 =	vadd.f32 v29, v30;
	(erf) = vpow2.f32 v24  }
0x24: {  	v30 =	vld [tilespmem:s25+$0x0];
	v25 =	vmul.f32 $1.442695020e+00, v25;
	v24 =	vadd.f32 v26, v28;
	(erf) = vpow2.f32 v21  }
0x25: {  	v20 =	vadd.f32 v22, v20;
	v21 =	vmul.f32 $1.442695020e+00, v29  }
0x26: {  	v22 =	vmul.f32 $1.442695020e+00, v24;
	v23 =	vadd.f32 v31, v23;
	(erf) = vpow2.f32 v25  }
0x27: {  	s22 =	simm.s32 $0x80;
	v20 =	vmul.f32 $1.442695020e+00, v20;
	(erf) = vpow2.f32 v21  }
0x28: {  	s23 =	simm.s32 $0x40;
	p0 =	por !p0, !p0;
	s0 =	simm.s32 $0x1;
	v21 =	vmul.f32 $1.442695020e+00, v23;
	(erf) = vpow2.f32 v22  }
0x29: {  	s20 =	sand.u32 $0x40, s23;
	s21 =	sand.u32 $0x1F00, s22;
	s0 =	simm.s32 @!p0 $0x0;
	v23 =	vadd.f32 v27, v30;
	(erf) = vpow2.f32 v20  }
0x2a: {  	s20 =	sor.u32 s20, s21;
	s0 =	sshll.u32 s0, $0x6;
	(erf) = vpow2.f32 v21  }
0x2b: {  	v33 =	vld [tilespmem:s20+$0x2030];
	s0 =	sadd.s32 $0x80, s0  }
0x2c: {  	v35 =	vld [tilespmem:s20+$0x20];
	s19 =	sor.u32 $0x80, s0;
	s18 =	sadd.s32 $0x10, s0;
	v20 =	vmul.f32 $1.442695020e+00, v23;
	v22 =	vpop (erf)  }
0x2d: {  	s18 =	sor.u32 $0x80, s18;
	v24 =	vld [tilespmem:s19+$0x2000];
	[tilespmem:s15+$0x4010] =	vst v22;
	v23 =	vpop (erf)  }
0x2e: {  	v25 =	vld [tilespmem:s18+$0x2000];
	(erf) = vpow2.f32 v20;
	[tilespmem:s14+$0x4000] =	vst v23  }
0x2f: {  	v31 =	vld [tilespmem:s20+$0x2010];
	v26 =	vpop (erf);
	[tilespmem:s15+$0x6010] =	vst v2  }
0x30: {  	v27 =	vld [tilespmem:s20+$0x10];
	[tilespmem:s15+$0x4030] =	vst v26;
	v28 =	vpop (erf)  }
0x31: {  	v21 =	vld [tilespmem:s19+$0x0];
	[tilespmem:s15+$0x4000] =	vst v28;
	v30 =	vpop (erf)  }
0x32: {  	v20 =	vld [tilespmem:s18+$0x0];
	[tilespmem:s15+$0x4020] =	vst v30;
	v32 =	vpop (erf)  }
0x33: {  	v36 =	vld [tilespmem:s20+$0x2000];
	[tilespmem:s16+$0x4000] =	vst v32;
	v34 =	vpop (erf)  }
0x34: {  	v29 =	vld [tilespmem:s20+$0x30];
	v28 =	vadd.f32 v28, v2;
	[tilespmem:s17+$0x4000] =	vst v34  }
0x35: {  	v27 =	vadd.f32 v31, v27;
	v31 =	vld [tilespmem:s20+$0x2020];
	[tilespmem:s15+$0x6000] =	vst v2  }
0x36: {  	v32 =	vadd.f32 v32, v2;
	v22 =	vadd.f32 v22, v28;
	v28 =	vld [tilespmem:s20+$0x0];
	[tilespmem:s15+$0x6020] =	vst v2  }
0x37: {  	s31 =	sadd.s32 $0x20, s0;
	v21 =	vadd.f32 v24, v21;
	v20 =	vadd.f32 v25, v20;
	v37 =	vpop (erf);
	[tilespmem:s16+$0x6000] =	vst v2  }
0x38: {  	s24 =	sor.u32 $0x80, s31;
	v24 =	vadd.f32 v23, v32;
	v25 =	vadd.f32 v30, v22;
	[tilespmem:s25+$0x4000] =	vst v37  }
0x39: {  	s0 =	sadd.s32 $0x30, s0;
	v33 =	vadd.f32 v33, v29;
	v63 =	vmul.f32 $1.442695020e+00, v20;
	v23 =	vld [tilespmem:s24+$0x0];
	v30 =	vmul.f32 $1.442695020e+00, v27;
	[tilespmem:s15+$0x6030] =	vst v2  }
0x3a: {  	s21 =	sor.u32 $0x80, s0;
	v22 =	vmul.f32 $1.442695020e+00, v21;
	v21 =	vadd.f32 v34, v24;
	v20 =	vadd.f32 v26, v25;
	v25 =	vld [tilespmem:s24+$0x2000];
	[tilespmem:s25+$0x6000] =	vst v2  }
0x3b: {  	v29 =	vadd.f32 v31, v35;
	v24 =	vld [tilespmem:s21+$0x2000];
	(erf) = vpow2.f32 v30;
	v27 =	vadd.f32 v36, v28;
	[tilespmem:s15+$0x8030] =	vst v2  }
0x3c: {  	p0 =	por !p0, !p0;
	s0 =	simm.s32 $0x4;
	v26 =	vld [tilespmem:s21+$0x0];
	v28 =	vmul.f32 $1.442695020e+00, v33;
	(erf) = vpow2.f32 v63;
	v21 =	vadd.f32 v37, v21;
	[tilespmem:s25+$0x8000] =	vst v2  }
.LBB2_2:
0x3d: {  	s25 =	simm.s32 $0x1  }
0x3e: {  	v27 =	vmul.f32 $1.442695020e+00, v27;
	s22 =	sadd.s32 $0x80, s22;
	s23 =	sadd.s32 $0x40, s23;
	[tilespmem:s15+$0x8000] =	vst v2;
	s25 =	simm.s32 @!p0 $0x0  }
0x3f: {  	s0 =	sadd.s32 $0x4, s0;
	v29 =	vmul.f32 $1.442695020e+00, v29;
	v23 =	vadd.f32 v25, v23;
	s25 =	sshll.u32 s25, $0x6;
	(erf) = vpow2.f32 v28;
	[tilespmem:s16+$0x8000] =	vst v2;
	s16 =	smov.u32 s19  }
0x40: {  	p1 =	slt.u32 s0, $0xFC;
	s26 =	sadd.s32 s25, s22;
	(erf) = vpow2.f32 v27;
	[tilespmem:s14+$0x6000] =	vst v2  }
0x41: {  	v23 =	vmul.f32 $1.442695020e+00, v23;
	v24 =	vadd.f32 v24, v26;
	s19 =	sor.u32 $0x80, s26;
	s28 =	sadd.s32 $0x10, s26;
	s25 =	sadd.s32 $0x30, s26;
	(erf) = vpow2.f32 v29;
	[tilespmem:s15+$0x8010] =	vst v2  }
0x42: {  	s26 =	sadd.s32 $0x20, s26;
	v25 =	vld [tilespmem:s19+$0x0];
	s28 =	sor.u32 $0x80, s28;
	(erf) = vpow2.f32 v22;
	[tilespmem:s17+$0x6000] =	vst v2  }
0x43: {  	v28 =	vmul.f32 $1.442695020e+00, v24;
	v22 =	vld [tilespmem:s28+$0x0];
	(erf) = vpow2.f32 v23;
	[tilespmem:s15+$0x8020] =	vst v2;
	s15 =	smov.u32 s20  }
0x44: {  	v23 =	vld [tilespmem:s19+$0x2000];
	[tilespmem:s17+$0x8000] =	vst v2;
	s17 =	smov.u32 s24  }
0x45: {  	v26 =	vld [tilespmem:s28+$0x2000];
	v27 =	vpop (erf);
	(erf) = vpow2.f32 v28;
	[tilespmem:s14+$0x8000] =	vst v2;
	s14 =	smov.u32 s18;
	s18 =	smov.u32 s28  }
0x46: {  	[tilespmem:s15+$0x4010] =	vst v27;
	v24 =	vpop (erf)  }
0x47: {  	s20 =	sand.u32 $0x40, s23;
	s24 =	sand.u32 $0x1F00, s22;
	[tilespmem:s14+$0x4000] =	vst v24  }
0x48: {  	s20 =	sor.u32 s20, s24;
	[tilespmem:s15+$0x6010] =	vst v2;
	v28 =	vpop (erf)  }
0x49: {  	v23 =	vadd.f32 v23, v25;
	v25 =	vld [tilespmem:s20+$0x10];
	[tilespmem:s15+$0x4030] =	vst v28;
	v29 =	vpop (erf)  }
0x4a: {  	v26 =	vadd.f32 v26, v22;
	v30 =	vld [tilespmem:s20+$0x30];
	[tilespmem:s15+$0x4000] =	vst v29;
	v20 =	vadd.f32 v29, v20;
	v29 =	vpop (erf)  }
0x4b: {  	s24 =	sor.u32 $0x80, s26;
	v22 =	vmul.f32 $1.442695020e+00, v23;
	v23 =	vld [tilespmem:s20+$0x2010];
	[tilespmem:s15+$0x4020] =	vst v29;
	v31 =	vpop (erf)  }
0x4c: {  	v32 =	vmul.f32 $1.442695020e+00, v26;
	v26 =	vld [tilespmem:s20+$0x2030];
	[tilespmem:s16+$0x4000] =	vst v31;
	v20 =	vadd.f32 v27, v20;
	v27 =	vpop (erf)  }
0x4d: {  	v21 =	vadd.f32 v31, v21;
	v33 =	vld [tilespmem:s20+$0x20];
	[tilespmem:s17+$0x4000] =	vst v27  }
0x4e: {  	s25 =	sor.u32 $0x80, s25;
	v31 =	vld [tilespmem:s20+$0x2000];
	[tilespmem:s15+$0x6020] =	vst v2;
	v20 =	vadd.f32 v29, v20;
	v29 =	vpop (erf)  }
0x4f: {  	v21 =	vadd.f32 v24, v21;
	v34 =	vld [tilespmem:s20+$0x0];
	[tilespmem:s21+$0x4000] =	vst v29  }
0x50: {  	v24 =	vadd.f32 v23, v25;
	v35 =	vld [tilespmem:s20+$0x2020];
	[tilespmem:s15+$0x6030] =	vst v2;
	v20 =	vadd.f32 v28, v20  }
.Ltmp0:
0x51: {  	v21 =	vadd.f32 v27, v21;
	v23 =	vld [tilespmem:s24+$0x0];
	[tilespmem:s21+$0x6000] =	vst v2;
	(pc) =	sbr.rel @p1 .LBB2_2-.Ltmp0, $4  }
0x52: {  	v28 =	vmul.f32 $1.442695020e+00, v24;
	v25 =	vld [tilespmem:s24+$0x2000];
	[tilespmem:s15+$0x8030] =	vst v2  }
0x53: {  	v30 =	vadd.f32 v26, v30;
	v21 =	vadd.f32 v29, v21;
	v24 =	vld [tilespmem:s25+$0x2000];
	[tilespmem:s15+$0x6000] =	vst v2  }
0x54: {  	v27 =	vadd.f32 v31, v34;
	v26 =	vld [tilespmem:s25+$0x0];
	(erf) = vpow2.f32 v28;
	[tilespmem:s16+$0x6000] =	vst v2  }
0x55: {  	p0 =	por !p0, !p0;
	v28 =	vmul.f32 $1.442695020e+00, v30;
	v29 =	vadd.f32 v35, v33;
	(erf) = vpow2.f32 v32;
	[tilespmem:s21+$0x8000] =	vst v2;
	s21 =	smov.u32 s25  }
0x56: {  	v27 =	vmul.f32 $1.442695020e+00, v27  }
0x57: {  	v29 =	vmul.f32 $1.442695020e+00, v29;
	(erf) = vpow2.f32 v28  }
0x58: {  	(erf) = vpow2.f32 v27  }
0x59: {  	(erf) = vpow2.f32 v29  }
0x5a: {  	v23 =	vadd.f32 v25, v23;
	(erf) = vpow2.f32 v22;
	_ =	sdelay $0x1  }
0x5b: {  	v54 =	vmul.f32 $1.442695020e+00, v23;
	v55 =	vadd.f32 v24, v26;
	_ =	sdelay $0x1  }
0x5c: {  	v23 =	vmul.f32 $1.442695020e+00, v55;
	(erf) = vpow2.f32 v54;
	v56 =	vpop (erf)  }
0x5d: {  	v57 =	vpop (erf)  }
0x5e: {  	(erf) = vpow2.f32 v23;
	v58 =	vpop (erf)  }
0x5f: {  	v59 =	vpop (erf)  }
0x60: {  	v60 =	vpop (erf)  }
0x61: {  	v20 =	vadd.f32 v59, v20;
	v61 =	vpop (erf)  }
0x62: {  	v21 =	vadd.f32 v61, v21  }
0x63: {  	v20 =	vadd.f32 v56, v20  }
0x64: {  	v21 =	vadd.f32 v57, v21  }
0x65: {  	[tilespmem:s15+$0x8000] =	vst v2;
	v62 =	vpop (erf);
	v20 =	vadd.f32 v60, v20  }
0x66: {  	[tilespmem:s14+$0x6000] =	vst v2;
	v21 =	vadd.f32 v62, v21  }
0x67: {  	[tilespmem:s17+$0x6000] =	vst v2;
	v63 =	vpop (erf);
	v20 =	vadd.f32 v58, v20  }
0x68: {  	[tilespmem:s16+$0x8000] =	vst v2;
	v21 =	vadd.f32 v63, v21  }
0x69: {  	[tilespmem:s15+$0x8010] =	vst v2;
	(xrf2) =	vadd.scan.msk.f32 $0xffff, v20  }
0x6a: {  	[tilespmem:s15+$0x8020] =	vst v2;
	(xrf2) =	vadd.scan.msk.f32 $0xffff, v21  }
0x6b: {  	[tilespmem:s17+$0x8000] =	vst v2  }
0x6c: {  	[tilespmem:s14+$0x8000] =	vst v2  }
0x6d: {  	[tilespmem:s20+$0x4010] =	vst v56  }
0x6e: {  	[tilespmem:s18+$0x4000] =	vst v57  }
0x6f: {  	[tilespmem:s20+$0x6010] =	vst v2  }
0x70: {  	[tilespmem:s20+$0x4030] =	vst v58  }
0x71: {  	[tilespmem:s18+$0x6000] =	vst v2  }
0x72: {  	[tilespmem:s20+$0x4000] =	vst v59  }
0x73: {  	[tilespmem:s20+$0x8010] =	vst v2;
	v20, _, _ =	vpop (xrf2)  }
0x74: {  	[tilespmem:s20+$0x4020] =	vst v60;
	(v2sf) =	vpush v20, $0xF;
	v20, _, _ =	vpop (xrf2)  }
0x75: {  	[tilespmem:s18+$0x8000] =	vst v2;
	(v2sf) =	vpush v20, $0xF  }
0x76: {  	[tilespmem:s19+$0x4000] =	vst v61  }
0x77: {  	[tilespmem:s24+$0x4000] =	vst v62  }
0x78: {  	[tilespmem:s20+$0x6000] =	vst v2  }
0x79: {  	[tilespmem:s20+$0x6020] =	vst v2  }
0x7a: {  	[tilespmem:s19+$0x6000] =	vst v2  }
0x7b: {  	[tilespmem:s21+$0x4000] =	vst v63  }
0x7c: {  	[tilespmem:s20+$0x8000] =	vst v2  }
0x7d: {  	[tilespmem:s24+$0x6000] =	vst v2  }
0x7e: {  	[tilespmem:s20+$0x6030] =	vst v2  }
0x7f: {  	[tilespmem:s19+$0x8000] =	vst v2  }
0x80: {  	[tilespmem:s20+$0x8020] =	vst v2  }
0x81: {  	[tilespmem:s21+$0x6000] =	vst v2  }
0x82: {  	[tilespmem:s24+$0x8000] =	vst v2  }
0x83: {  	[tilespmem:s20+$0x8030] =	vst v2;
	s0 =	spop (v2sf)  }
0x84: {  	s15 =	simm.s32 $0x0;
	s14 =	simm.s32 $0x0;
	[tilespmem:s21+$0x8000] =	vst v2;
	s17 =	spop (v2sf)  }
.LBB2_4:
0x85: {  	v20 =	vmov s0;
	s22 =	sand.u32 $0x40, s14;
	s16 =	sand.u32 $0x1F00, s14  }
0x86: {  	p0 =	por $0x0, $0x0;
	s0 =	simm.s32 $0x1;
	(erf) = vrcp.f32 v20;
	v20 =	vmov s17;
	s16 =	sor.u32 s22, s16  }
0x87: {  	s0 =	simm.s32 @!p0 $0x0;
	(erf) = vrcp.f32 v20;
	v24 =	vld [tilespmem:s16+$0x4020]  }
0x88: {  	s0 =	sshll.u32 s0, $0x6;
	v22 =	vld [tilespmem:s16+$0x6020]  }
0x89: {  	v23 =	vld [tilespmem:s16+$0x4030];
	s0 =	sadd.s32 $0x0, s0  }
0x8a: {  	v25 =	vld [tilespmem:s16+$0x6030];
	s17 =	sor.u32 $0x80, s0;
	s18 =	sadd.s32 $0x10, s0  }
0x8b: {  	s23 =	sadd.s32 $0x30, s0;
	s0 =	sadd.s32 $0x20, s0;
	v26 =	vld [tilespmem:s17+$0x4000];
	s19 =	sor.u32 $0x80, s18  }
0x8c: {  	s24 =	simm.s32 $0x80;
	s25 =	simm.s32 $0x40;
	s28 =	sor.u32 $0x80, s0;
	v27 =	vld [tilespmem:s19+$0x4000]  }
0x8d: {  	s29 =	sor.u32 $0x80, s23;
	s18 =	sand.u32 $0x40, s25;
	s0 =	sand.u32 $0x1F00, s24;
	v32 =	vld [tilespmem:s28+$0x4000]  }
0x8e: {  	v30 =	vld [tilespmem:s29+$0x4000];
	s18 =	sor.u32 s18, s0  }
0x8f: {  	v60 =	vld [tilespmem:s18+$0x4030];
	v21 =	vpop (erf)  }
0x90: {  	p0 =	por !p0, !p0;
	s0 =	simm.s32 $0x1;
	v29 =	vmul.f32 v24, v21;
	v20 =	vpop (erf)  }
0x91: {  	s0 =	simm.s32 @!p0 $0x0;
	v48 =	vld [tilespmem:s18+$0x6030];
	v34 =	vmul.f32 v23, v21;
	v31 =	vmul.f32 v26, v20  }
0x92: {  	v28 =	vld [tilespmem:s16+$0x4000];
	s0 =	sshll.u32 s0, $0x6;
	v33 =	vmul.f32 v27, v20;
	v41 =	vmul.f32 v32, v20  }
0x93: {  	v35 =	vld [tilespmem:s16+$0x4010];
	s0 =	sadd.s32 $0x80, s0;
	v46 =	vmul.f32 v30, v20;
	v22 =	vadd.f32 v22, v29;
	v29 =	vsub.f32 $1.000000000e+00, v29  }
0x94: {  	v36 =	vld [tilespmem:s16+$0x6010];
	s20 =	sor.u32 $0x80, s0;
	v63 =	vmul.f32 v60, v21;
	v25 =	vadd.f32 v25, v34;
	v39 =	vsub.f32 $1.000000000e+00, v31  }
0x95: {  	v38 =	vld [tilespmem:s16+$0x6000];
	s21 =	sadd.s32 $0x10, s0;
	s22 =	sadd.s32 $0x30, s0;
	s0 =	sadd.s32 $0x20, s0;
	v58 =	vsub.f32 $1.000000000e+00, v33;
	v59 =	vsub.f32 $1.000000000e+00, v41  }
0x96: {  	v37 =	vimm.f32 $0.0e+00;
	v44 =	vld [tilespmem:s18+$0x4020];
	s23 =	sor.u32 $0x80, s22;
	s22 =	sor.u32 $0x80, s0;
	v49 =	vsub.f32 $1.000000000e+00, v46;
	v48 =	vadd.f32 v48, v63;
	[tilespmem:s16+$0x6020] =	vst v22  }
0x97: {  	v52 =	vld [tilespmem:s22+$0x4000];
	v22 =	vsub.f32 $1.000000000e+00, v34;
	v29 =	vmax.f32 v29, $1.175494350e-38;
	[tilespmem:s16+$0x6030] =	vst v25;
	v25 =	vmul.f32 v28, v21  }
0x98: {  	v45 =	vld [tilespmem:s18+$0x6020];
	v39 =	vmax.f32 v39, $1.175494350e-38;
	v34 =	vmax.f32 v58, $1.175494350e-38;
	v50 =	vmul.f32 v29, v24  }
0x99: {  	v40 =	vld [tilespmem:s28+$0x6000];
	v43 =	vmax.f32 v22, $1.175494350e-38;
	v22 =	vmul.f32 v39, v26;
	v26 =	vmul.f32 v35, v21  }
0x9a: {  	v61 =	vld [tilespmem:s20+$0x4000];
	v39 =	vmax.f32 v59, $1.175494350e-38;
	v62 =	vsub.f32 $1.000000000e+00, v25;
	v43 =	vmul.f32 v43, v23  }
0x9b: {  	v42 =	vld [tilespmem:s29+$0x6000];
	v23 =	vmul.f32 v34, v27;
	v47 =	vadd.f32 v22, v37;
	v27 =	vsub.f32 $1.000000000e+00, v26  }
0x9c: {  	v54 =	vld [tilespmem:s18+$0x4010];
	v25 =	vadd.f32 v38, v25;
	v51 =	vmul.f32 v39, v32;
	v34 =	vmul.f32 v52, v20  }
0x9d: {  	s21 =	sor.u32 $0x80, s21;
	v26 =	vadd.f32 v36, v26;
	v36 =	vld [tilespmem:s23+$0x4000];
	v29 =	vadd.f32 v23, v47;
	v24 =	vmax.f32 v27, $1.175494350e-38  }
0x9e: {  	v32 =	vadd.f32 v40, v41;
	v40 =	vld [tilespmem:s21+$0x4000];
	v27 =	vmax.f32 v49, $1.175494350e-38;
	v24 =	vmul.f32 v24, v35  }
0x9f: {  	s26 =	simm.s32 $0x100;
	s24 =	simm.s32 $0x80;
	v41 =	vsub.f32 $1.000000000e+00, v63;
	[tilespmem:s16+$0x6010] =	vst v26;
	v35 =	vld [tilespmem:s18+$0x4000];
	v49 =	vmul.f32 v27, v30;
	v30 =	vmul.f32 v44, v21  }
0xa0: {  	s24 =	sand.u32 $0x40, s24;
	s0 =	sand.u32 $0x1F00, s26;
	[tilespmem:s16+$0x6000] =	vst v25;
	v42 =	vadd.f32 v42, v46;
	v27 =	vmul.f32 v61, v20;
	v47 =	vld [tilespmem:s19+$0x6000];
	v29 =	vadd.f32 v51, v29  }
0xa1: {  	p0 =	por !p0, !p0;
	s24 =	sor.u32 s24, s0;
	s0 =	simm.s32 $0x1;
	[tilespmem:s18+$0x6030] =	vst v48;
	v25 =	vmax.f32 v41, $1.175494350e-38;
	v45 =	vadd.f32 v45, v30;
	v30 =	vsub.f32 $1.000000000e+00, v30  }
0xa2: {  	v53 =	vld [tilespmem:s18+$0x6010];
	s0 =	simm.s32 @!p0 $0x0;
	[tilespmem:s28+$0x6000] =	vst v32;
	v56 =	vsub.f32 $1.000000000e+00, v27;
	v32 =	vmul.f32 v36, v20;
	v38 =	vadd.f32 v49, v29  }
0xa3: {  	v55 =	vld [tilespmem:s18+$0x6000];
	s0 =	sshll.u32 s0, $0x6;
	v29 =	vmul.f32 v40, v20;
	[tilespmem:s18+$0x6020] =	vst v45;
	v45 =	vmax.f32 v30, $1.175494350e-38;
	v30 =	vmax.f32 v62, $1.175494350e-38  }
0xa4: {  	s0 =	sadd.s32 $0x100, s0;
	[tilespmem:s29+$0x6000] =	vst v42;
	v62 =	vld [tilespmem:s24+$0x4030];
	v58 =	vmul.f32 v30, v28;
	v59 =	vmul.f32 v35, v21;
	v28 =	vmax.f32 v56, $1.175494350e-38  }
0xa5: {  	s26 =	sadd.s32 $0x10, s0;
	[tilespmem:s16+$0x4020] =	vst v50;
	v57 =	vld [tilespmem:s22+$0x6000];
	v30 =	vmul.f32 v25, v60;
	v60 =	vmul.f32 v54, v21;
	v33 =	vadd.f32 v47, v33  }
0xa6: {  	s26 =	sor.u32 $0x80, s26;
	v63 =	vld [tilespmem:s24+$0x6030];
	[tilespmem:s16+$0x4030] =	vst v43;
	v41 =	vmul.f32 v45, v44;
	v39 =	vsub.f32 $1.000000000e+00, v29;
	v37 =	vadd.f32 v58, v37  }
0xa7: {  	[tilespmem:s29+$0x4000] =	vst v49;
	v45 =	vld [tilespmem:s26+$0x4000];
	v25 =	vmul.f32 v28, v61;
	v48 =	vsub.f32 $1.000000000e+00, v60;
	v60 =	vadd.f32 v53, v60  }
0xa8: {  	v42 =	vld [tilespmem:s24+$0x4000];
	[tilespmem:s28+$0x4000] =	vst v51;
	v49 =	vsub.f32 $1.000000000e+00, v59;
	v51 =	vadd.f32 v55, v59;
	v26 =	vmax.f32 v39, $1.175494350e-38  }
0xa9: {  	v56 =	vld [tilespmem:s17+$0x6000];
	v38 =	vadd.f32 v25, v38;
	v26 =	vmul.f32 v26, v40;
	v40 =	vsub.f32 $1.000000000e+00, v34  }
0xaa: {  	s25 =	sor.u32 $0x80, s0;
	v39 =	vld [tilespmem:s24+$0x4020];
	v47 =	vmul.f32 v62, v21;
	v46 =	vadd.f32 v57, v34;
	v57 =	vsub.f32 $1.000000000e+00, v32  }
0xab: {  	v44 =	vadd.f32 v26, v38;
	v38 =	vmax.f32 v40, $1.175494350e-38;
	v40 =	vmax.f32 v48, $1.175494350e-38;
	v48 =	vld [tilespmem:s25+$0x4000]  }
0xac: {  	s29 =	sadd.s32 $0x30, s0;
	v61 =	vld [tilespmem:s24+$0x6020];
	[tilespmem:s19+$0x6000] =	vst v33;
	v37 =	vadd.f32 v24, v37;
	v33 =	vmul.f32 v45, v20;
	v55 =	vadd.f32 v63, v47  }
0xad: {  	s0 =	sadd.s32 $0x20, s0;
	s28 =	sor.u32 $0x80, s29;
	v28 =	vld [tilespmem:s23+$0x6000];
	v63 =	vsub.f32 $1.000000000e+00, v47;
	v34 =	vmul.f32 v40, v54;
	v53 =	vmax.f32 v57, $1.175494350e-38  }
0xae: {  	s29 =	sor.u32 $0x80, s0;
	[tilespmem:s18+$0x6000] =	vst v51;
	v38 =	vmul.f32 v38, v52;
	v54 =	vadd.f32 v50, v37;
	v40 =	vld [tilespmem:s28+$0x4000];
	v37 =	vmul.f32 v53, v36  }
0xaf: {  	[tilespmem:s22+$0x6000] =	vst v46;
	v46 =	vld [tilespmem:s29+$0x4000];
	v36 =	vadd.f32 v56, v31;
	v57 =	vmul.f32 v39, v21;
	v56 =	vsub.f32 $1.000000000e+00, v33  }
0xb0: {  	[tilespmem:s18+$0x6010] =	vst v60;
	v50 =	vld [tilespmem:s24+$0x4010];
	v44 =	vadd.f32 v38, v44;
	v54 =	vadd.f32 v43, v54;
	v31 =	vmul.f32 v48, v20  }
0xb1: {  	[tilespmem:s18+$0x4020] =	vst v41;
	v43 =	vld [tilespmem:s24+$0x6010];
	v53 =	vadd.f32 v61, v57;
	v61 =	vsub.f32 $1.000000000e+00, v57  }
0xb2: {  	v47 =	vmul.f32 v42, v21;
	[tilespmem:s17+$0x6000] =	vst v36;
	v52 =	vadd.f32 v37, v44;
	v44 =	vld [tilespmem:s24+$0x6000];
	v57 =	vsub.f32 $1.000000000e+00, v31  }
0xb3: {  	v63 =	vmax.f32 v63, $1.175494350e-38;
	[tilespmem:s24+$0x6020] =	vst v53;
	v53 =	vmax.f32 v61, $1.175494350e-38;
	v61 =	vmax.f32 v49, $1.175494350e-38;
	v49 =	vld [tilespmem:s20+$0x6000]  }
0xb4: {  	s30 =	simm.s32 $0x8;
	s31 =	simm.s32 $0x180;
	s0 =	simm.s32 $0xC0;
	[tilespmem:s16+$0x4000] =	vst v58;
	v51 =	vld [tilespmem:s29+$0x6000];
	v36 =	vmul.f32 v61, v35;
	v35 =	vmul.f32 v63, v62;
	v57 =	vmax.f32 v57, $1.175494350e-38  }
.LBB2_5:
0xb5: {  	s1 =	sand.u32 $0x40, s0  }
0xb6: {  	s10 =	sand.u32 $0x1F00, s31;
	s30 =	sadd.s32 $0x4, s30;
	v48 =	vmul.f32 v57, v48;
	v57 =	vmul.f32 v46, v20;
	[tilespmem:s24+$0x6030] =	vst v55;
	v54 =	vadd.f32 v36, v54;
	v55 =	vld [tilespmem:s21+$0x6000];
	p0 =	por !p0, !p0  }
0xb7: {  	v56 =	vmax.f32 v56, $1.175494350e-38;
	v59 =	vadd.f32 v28, v32;
	s1 =	sor.u32 s1, s10;
	p1 =	slt.u32 s30, $0xFC;
	v58 =	vmul.f32 v50, v21;
	v28 =	vld [tilespmem:s28+$0x6000];
	[tilespmem:s16+$0x4010] =	vst v24;
	v24 =	vmovc v34;
	s10 =	simm.s32 $0x1  }
0xb8: {  	s16 =	smov.u32 s18;
	s18 =	smov.u32 s24;
	s10 =	simm.s32 @!p0 $0x0;
	v60 =	vld [tilespmem:s1+$0x4020];
	v34 =	vadd.f32 v48, v52;
	v52 =	vsub.f32 $1.000000000e+00, v57;
	[tilespmem:s19+$0x4000] =	vst v23;
	v23 =	vmovc v26;
	v26 =	vmul.f32 v56, v45  }
0xb9: {  	v53 =	vmul.f32 v53, v39;
	v32 =	vmul.f32 v40, v20;
	s24 =	smov.u32 s1;
	s19 =	smov.u32 s21;
	s10 =	sshll.u32 s10, $0x6;
	v56 =	vld [tilespmem:s1+$0x6020];
	v45 =	vsub.f32 $1.000000000e+00, v58;
	[tilespmem:s23+$0x6000] =	vst v59  }
0xba: {  	s21 =	smov.u32 s26;
	s1 =	sadd.s32 s10, s31;
	v59 =	vld [tilespmem:s24+$0x4030];
	v61 =	vadd.f32 v26, v34;
	v39 =	vmax.f32 v52, $1.175494350e-38;
	v52 =	vadd.f32 v24, v54;
	[tilespmem:s16+$0x4030] =	vst v30  }
0xbb: {  	v51 =	vadd.f32 v51, v57;
	v54 =	vsub.f32 $1.000000000e+00, v32;
	s10 =	sor.u32 $0x80, s1;
	s26 =	sadd.s32 $0x10, s1;
	s12 =	sadd.s32 $0x30, s1;
	v62 =	vld [tilespmem:s24+$0x6030];
	v34 =	vmax.f32 v45, $1.175494350e-38;
	[tilespmem:s17+$0x4000] =	vst v22;
	v22 =	vmovc v25;
	v25 =	vmovc v48  }
0xbc: {  	v29 =	vadd.f32 v55, v29;
	s17 =	smov.u32 s20;
	s20 =	smov.u32 s25;
	v48 =	vld [tilespmem:s10+$0x4000];
	s26 =	sor.u32 $0x80, s26;
	v34 =	vmul.f32 v34, v50;
	v50 =	vmul.f32 v39, v46;
	[tilespmem:s23+$0x4000] =	vst v37  }
0xbd: {  	v58 =	vadd.f32 v43, v58;
	v37 =	vmax.f32 v54, $1.175494350e-38;
	s25 =	smov.u32 s10;
	s23 =	smov.u32 s28;
	v45 =	vld [tilespmem:s26+$0x4000];
	[tilespmem:s22+$0x4000] =	vst v38;
	v38 =	vadd.f32 v41, v52;
	v39 =	vmovc v60;
	s22 =	smov.u32 s29  }
0xbe: {  	v27 =	vadd.f32 v49, v27;
	s1 =	sadd.s32 $0x20, s1;
	s28 =	sor.u32 $0x80, s12;
	v37 =	vmul.f32 v37, v40;
	v57 =	vld [tilespmem:s24+$0x4000];
	v43 =	vadd.f32 v50, v61;
	[tilespmem:s19+$0x6000] =	vst v29  }
0xbf: {  	v49 =	vsub.f32 $1.000000000e+00, v47;
	s29 =	sor.u32 $0x80, s1;
	v41 =	vmovc v53;
	v29 =	vmul.f32 v39, v21;
	v40 =	vld [tilespmem:s28+$0x4000];
	[tilespmem:s22+$0x6000] =	vst v51;
	v54 =	vadd.f32 v30, v38  }
0xc0: {  	v44 =	vadd.f32 v44, v47;
	v30 =	vmul.f32 v59, v21;
	v46 =	vld [tilespmem:s29+$0x4000];
	[tilespmem:s18+$0x4020] =	vst v41;
	v52 =	vadd.f32 v37, v43  }
.Ltmp1:
0xc1: {  	v51 =	vadd.f32 v56, v29;
	v56 =	vsub.f32 $1.000000000e+00, v29;
	v47 =	vmul.f32 v48, v20;
	v43 =	vld [tilespmem:s24+$0x6010];
	[tilespmem:s17+$0x6000] =	vst v27;
	v38 =	vmovc v50;
	(pc) =	sbr.rel @p1 .LBB2_5-.Ltmp1, $4  }
0xc2: {  	v55 =	vadd.f32 v62, v30;
	v63 =	vsub.f32 $1.000000000e+00, v30;
	v27 =	vmovc v31;
	v50 =	vld [tilespmem:s24+$0x4010];
	v60 =	vmul.f32 v45, v20;
	[tilespmem:s18+$0x6000] =	vst v44  }
0xc3: {  	v49 =	vmax.f32 v49, $1.175494350e-38;
	v53 =	vmax.f32 v56, $1.175494350e-38;
	v29 =	vmovc v33;
	v44 =	vld [tilespmem:s24+$0x6000];
	v61 =	vsub.f32 $1.000000000e+00, v47;
	[tilespmem:s24+$0x6020] =	vst v51;
	v31 =	vmovc v47  }
0xc4: {  	v62 =	vmax.f32 v63, $1.175494350e-38;
	v56 =	vsub.f32 $1.000000000e+00, v60;
	v51 =	vld [tilespmem:s29+$0x6000];
	[tilespmem:s16+$0x4000] =	vst v36;
	v36 =	vmul.f32 v49, v42;
	v42 =	vmovc v57;
	v33 =	vmovc v60  }
0xc5: {  	s0 =	sadd.s32 $0x40, s0;
	s31 =	sadd.s32 $0x80, s31;
	v30 =	vmovc v35;
	v35 =	vmul.f32 v62, v59;
	v47 =	vmul.f32 v42, v21;
	v57 =	vmax.f32 v61, $1.175494350e-38;
	v49 =	vld [tilespmem:s20+$0x6000];
	[tilespmem:s18+$0x6010] =	vst v58  }
0xc6: {  	v54 =	vadd.f32 v36, v54;
	_ =	sdelay $0x1  }
0xc7: {  	v54 =	vadd.f32 v34, v54  }
0xc8: {  	v21 =	vmul.f32 v50, v21;
	v58 =	vsub.f32 $1.000000000e+00, v47  }
0xc9: {  	v41 =	vadd.f32 v41, v54  }
0xca: {  	v48 =	vmul.f32 v57, v48;
	v59 =	vsub.f32 $1.000000000e+00, v21;
	v58 =	vmax.f32 v58, $1.175494350e-38  }
0xcb: {  	v54 =	vmul.f32 v46, v20;
	v42 =	vmul.f32 v58, v42;
	v41 =	vadd.f32 v30, v41  }
0xcc: {  	v56 =	vmax.f32 v56, $1.175494350e-38;
	v20 =	vmul.f32 v40, v20;
	v63 =	vmax.f32 v59, $1.175494350e-38  }
0xcd: {  	v62 =	vsub.f32 $1.000000000e+00, v54;
	v50 =	vmul.f32 v63, v50;
	v41 =	vadd.f32 v42, v41  }
0xce: {  	v39 =	vmul.f32 v53, v39;
	v45 =	vmul.f32 v56, v45;
	v52 =	vadd.f32 v48, v52  }
0xcf: {  	v61 =	vsub.f32 $1.000000000e+00, v20;
	v60 =	vmax.f32 v62, $1.175494350e-38;
	v41 =	vadd.f32 v50, v41  }
0xd0: {  	v52 =	vadd.f32 v45, v52;
	v46 =	vmul.f32 v60, v46  }
0xd1: {  	v62 =	vmax.f32 v61, $1.175494350e-38;
	v41 =	vadd.f32 v39, v41  }
0xd2: {  	v63 =	vmul.f32 v62, v40;
	v52 =	vadd.f32 v46, v52  }
0xd3: {  	v41 =	vadd.f32 v35, v41  }
0xd4: {  	v52 =	vadd.f32 v63, v52  }
0xd5: {  	[tilespmem:s24+$0x6030] =	vst v55;
	(xrf2) =	vadd.scan.msk.f32 $0xffff, v41  }
0xd6: {  	[tilespmem:s16+$0x4010] =	vst v24;
	(xrf2) =	vadd.scan.msk.f32 $0xffff, v52  }
0xd7: {  	[tilespmem:s17+$0x4000] =	vst v22  }
0xd8: {  	v53 =	vld [tilespmem:s21+$0x6000];
	v28 =	vadd.f32 v28, v32;
	[tilespmem:s22+$0x4000] =	vst v38  }
0xd9: {  	[tilespmem:s19+$0x4000] =	vst v23  }
0xda: {  	[tilespmem:s23+$0x6000] =	vst v28  }
0xdb: {  	[tilespmem:s18+$0x4030] =	vst v30;
	v21 =	vadd.f32 v43, v21  }
0xdc: {  	[tilespmem:s23+$0x4000] =	vst v37;
	v57 =	vadd.f32 v49, v27  }
0xdd: {  	v55 =	vadd.f32 v53, v29;
	[tilespmem:s24+$0x6010] =	vst v21  }
0xde: {  	[tilespmem:s20+$0x6000] =	vst v57  }
0xdf: {  	v56 =	vadd.f32 v51, v54;
	[tilespmem:s21+$0x6000] =	vst v55;
	v58, _, _ =	vpop (xrf2)  }
0xe0: {  	[tilespmem:s18+$0x4000] =	vst v36;
	(v2sf) =	vpush v58, $0xF;
	v61, _, _ =	vpop (xrf2)  }
0xe1: {  	v59 =	vld [tilespmem:s28+$0x6000];
	[tilespmem:s29+$0x6000] =	vst v56;
	(v2sf) =	vpush v61, $0xF  }
0xe2: {  	[tilespmem:s18+$0x4010] =	vst v34  }
0xe3: {  	[tilespmem:s20+$0x4000] =	vst v25  }
0xe4: {  	v21 =	vld [tilespmem:s26+$0x6000];
	v60 =	vadd.f32 v44, v47;
	[tilespmem:s24+$0x4020] =	vst v39  }
0xe5: {  	[tilespmem:s21+$0x4000] =	vst v26  }
0xe6: {  	v20 =	vadd.f32 v59, v20;
	[tilespmem:s24+$0x6000] =	vst v60  }
0xe7: {  	[tilespmem:s29+$0x4000] =	vst v46;
	v62 =	vld [tilespmem:s25+$0x6000]  }
0xe8: {  	[tilespmem:s28+$0x6000] =	vst v20  }
0xe9: {  	v20 =	vadd.f32 v21, v33;
	[tilespmem:s24+$0x4030] =	vst v35  }
0xea: {  	s15 =	sadd.s32 $0x1, s15;
	[tilespmem:s28+$0x4000] =	vst v63  }
0xeb: {  	p0 =	sne.s32 s15, $0x10;
	[tilespmem:s26+$0x6000] =	vst v20  }
.Ltmp2:
0xec: {  	[tilespmem:s24+$0x4010] =	vst v50;
	v63 =	vadd.f32 v62, v31;
	(pc) =	sbr.rel @p0 .LBB2_4-.Ltmp2, $4  }
0xed: {  	[tilespmem:s26+$0x4000] =	vst v45  }
0xee: {  	[tilespmem:s25+$0x6000] =	vst v63  }
0xef: {  	[tilespmem:s24+$0x4000] =	vst v42;
	s0 =	spop (v2sf)  }
0xf0: {  	s16 =	simm.s32 $0x0;
	[tilespmem:s25+$0x4000] =	vst v48;
	s17 =	spop (v2sf)  }
0xf1: {  	v20 =	vmov s16  }
0xf2: {  	v20 =	vshll.u32 v20, $0x1  }
0xf3: {  	v20 =	vor.u32 v3, v20  }
0xf4: {  	v21 =	vand.u32 $0x1F00, v20  }
0xf5: {  	v20 =	vor.u32 v1, v21  }
0xf6: {  	v22 =	vor.u32 v4, v21  }
0xf7: {  	v23 =	vor.u32 v5, v21  }
0xf8: {  	v24 =	vor.u32 v6, v21  }
0xf9: {  	v25 =	vor.u32 v7, v21  }
0xfa: {  	v26 =	vor.u32 v8, v21;
	v20 =	vld.idx.msk [tilespmem:v20+s11+$0x0], $0xffff  }
0xfb: {  	v27 =	vor.u32 v9, v21;
	v22 =	vld.idx.msk [tilespmem:v22+s11+$0x0], $0xffff  }
0xfc: {  	v28 =	vor.u32 v10, v21;
	v23 =	vld.idx.msk [tilespmem:v23+s11+$0x0], $0xffff  }
0xfd: {  	v29 =	vor.u32 v11, v21;
	v24 =	vld.idx.msk [tilespmem:v24+s11+$0x0], $0xffff  }
0xfe: {  	v30 =	vor.u32 v12, v21;
	v25 =	vld.idx.msk [tilespmem:v25+s11+$0x0], $0xffff  }
0xff: {  	v34 =	vor.u32 v15, v21;
	v26 =	vld.idx.msk [tilespmem:v26+s11+$0x0], $0xffff  }
0x100: {  	s0 =	sadd.s32 $0x100, s16;
	v60 =	vor.u32 v16, v21;
	v27 =	vld.idx.msk [tilespmem:v27+s11+$0x0], $0xffff  }
0x101: {  	v33 =	vmov s0;
	v31 =	vor.u32 v13, v21;
	v28 =	vld.idx.msk [tilespmem:v28+s11+$0x0], $0xffff;
	v20 =	vmax.f32 v20, $-1.000000000e+00  }
0x102: {  	v32 =	vor.u32 v14, v21;
	v29 =	vld.idx.msk [tilespmem:v29+s11+$0x0], $0xffff;
	v20 =	vmax.f32 v20, v22;
	v22 =	vshll.u32 v33, $0x1  }
0x103: {  	v20 =	vmax.f32 v20, v23;
	v22 =	vor.u32 v3, v22;
	v23 =	vld.idx.msk [tilespmem:v30+s11+$0x0], $0xffff;
	v30 =	vor.u32 v17, v21  }
0x104: {  	v61 =	vld.idx.msk [tilespmem:v34+s11+$0x0], $0xffff;
	v21 =	vor.u32 v18, v21;
	v24 =	vmax.f32 v20, v24;
	v20 =	vand.u32 $0x1F00, v22  }
0x105: {  	v33 =	vld.idx.msk [tilespmem:v60+s11+$0x0], $0xffff;
	v24 =	vmax.f32 v24, v25;
	v25 =	vor.u32 v1, v20  }
0x106: {  	v22 =	vld.idx.msk [tilespmem:v31+s11+$0x0], $0xffff;
	v24 =	vmax.f32 v24, v26;
	v26 =	vor.u32 v4, v20  }
0x107: {  	v31 =	vld.idx.msk [tilespmem:v32+s11+$0x0], $0xffff;
	v24 =	vmax.f32 v24, v27;
	v27 =	vor.u32 v5, v20  }
0x108: {  	v24 =	vmax.f32 v24, v28;
	v28 =	vor.u32 v6, v20;
	v30 =	vld.idx.msk [tilespmem:v30+s11+$0x0], $0xffff  }
0x109: {  	v62 =	vld.idx.msk [tilespmem:v21+s11+$0x0], $0xffff;
	v24 =	vmax.f32 v24, v29;
	v29 =	vor.u32 v7, v20  }
0x10a: {  	v21 =	vmax.f32 v24, v23;
	v25 =	vld.idx.msk [tilespmem:v25+s11+$0x0], $0xffff;
	v24 =	vor.u32 v8, v20  }
0x10b: {  	v35 =	vor.u32 v9, v20;
	v21 =	vmax.f32 v21, v22;
	v26 =	vld.idx.msk [tilespmem:v26+s11+$0x0], $0xffff  }
0x10c: {  	v36 =	vor.u32 v10, v20;
	v21 =	vmax.f32 v21, v31;
	v23 =	vld.idx.msk [tilespmem:v27+s11+$0x0], $0xffff  }
0x10d: {  	v27 =	vor.u32 v11, v20;
	v22 =	vmax.f32 v21, v61;
	v21 =	vld.idx.msk [tilespmem:v28+s11+$0x0], $0xffff  }
0x10e: {  	v28 =	vor.u32 v12, v20;
	v31 =	vmax.f32 v22, v33;
	v22 =	vld.idx.msk [tilespmem:v29+s11+$0x0], $0xffff  }
0x10f: {  	s1 =	sand.u32 $0x70, s16;
	s10 =	sand.u32 $0x100, s16;
	v29 =	vor.u32 v13, v20;
	v30 =	vmax.f32 v31, v30;
	v24 =	vld.idx.msk [tilespmem:v24+s11+$0x0], $0xffff  }
0x110: {  	s0 =	sadd.s32 $0x100, s0;
	s1 =	sor.u32 s1, s10;
	v63 =	vmax.f32 v25, $-1.000000000e+00;
	v25 =	vld.idx.msk [tilespmem:v35+s11+$0x0], $0xffff;
	v31 =	vmax.f32 v30, v62;
	v30 =	vor.u32 v14, v20  }
0x111: {  	s14 =	simm.s32 $0x0;
	s15 =	simm.s32 $0x0;
	v32 =	vor.u32 v15, v20;
	v33 =	vmov s0;
	s0 =	sadd.s32 $0x100, s0;
	[tilespmem:s1+$0xA000] =	vst v31;
	v31 =	vmax.f32 v63, v26;
	v26 =	vld.idx.msk [tilespmem:v36+s11+$0x0], $0xffff  }
.LBB2_8:
0x112: {  	p0 =	sne.s32 s0, $0xF00;
	v33 =	vshll.u32 v33, $0x1;
	v23 =	vmax.f32 v31, v23;
	v27 =	vld.idx.msk [tilespmem:v27+s11+$0x0], $0xffff;
	v31 =	vor.u32 v16, v20  }
0x113: {  	v33 =	vor.u32 v3, v33;
	v21 =	vmax.f32 v23, v21;
	v23 =	vld.idx.msk [tilespmem:v28+s11+$0x0], $0xffff;
	v28 =	vor.u32 v17, v20  }
0x114: {  	v21 =	vmax.f32 v21, v22;
	v22 =	vld.idx.msk [tilespmem:v29+s11+$0x0], $0xffff;
	v29 =	vor.u32 v18, v20;
	v20 =	vand.u32 $0x1F00, v33  }
0x115: {  	v33 =	vor.u32 v1, v20;
	v21 =	vmax.f32 v21, v24;
	v24 =	vld.idx.msk [tilespmem:v30+s11+$0x0], $0xffff  }
0x116: {  	v30 =	vor.u32 v4, v20;
	v21 =	vmax.f32 v21, v25;
	v25 =	vld.idx.msk [tilespmem:v32+s11+$0x0], $0xffff  }
0x117: {  	v32 =	vor.u32 v5, v20;
	v21 =	vmax.f32 v21, v26;
	v26 =	vld.idx.msk [tilespmem:v31+s11+$0x0], $0xffff  }
0x118: {  	v31 =	vor.u32 v6, v20;
	v21 =	vmax.f32 v21, v27;
	v34 =	vld.idx.msk [tilespmem:v28+s11+$0x0], $0xffff  }
0x119: {  	v28 =	vor.u32 v7, v20;
	v21 =	vmax.f32 v21, v23;
	v35 =	vld.idx.msk [tilespmem:v29+s11+$0x0], $0xffff  }
0x11a: {  	v29 =	vor.u32 v8, v20;
	v33 =	vld.idx.msk [tilespmem:v33+s11+$0x0], $0xffff;
	v21 =	vmax.f32 v21, v22  }
0x11b: {  	v36 =	vld.idx.msk [tilespmem:v30+s11+$0x0], $0xffff;
	v30 =	vor.u32 v9, v20;
	v21 =	vmax.f32 v21, v24  }
0x11c: {  	v23 =	vld.idx.msk [tilespmem:v32+s11+$0x0], $0xffff;
	v32 =	vor.u32 v10, v20;
	v22 =	vmax.f32 v21, v25  }
.Ltmp3:
0x11d: {  	s14 =	sadd.s32 $0x20, s14;
	s15 =	sadd.s32 $0x10, s15;
	v27 =	vor.u32 v11, v20;
	v21 =	vld.idx.msk [tilespmem:v31+s11+$0x0], $0xffff;
	v24 =	vmax.f32 v22, v26;
	(pc) =	sbr.rel @p0 .LBB2_8-.Ltmp3, $4  }
0x11e: {  	s1 =	sand.u32 $0x70, s15;
	s10 =	sand.u32 $0x100, s14;
	v22 =	vld.idx.msk [tilespmem:v28+s11+$0x0], $0xffff;
	v28 =	vor.u32 v12, v20;
	v25 =	vmax.f32 v24, v34  }
0x11f: {  	s1 =	sor.u32 s1, s10;
	v24 =	vld.idx.msk [tilespmem:v29+s11+$0x0], $0xffff;
	v29 =	vor.u32 v13, v20;
	v26 =	vmax.f32 v25, v35  }
0x120: {  	v31 =	vmax.f32 v33, $-1.000000000e+00;
	v25 =	vld.idx.msk [tilespmem:v30+s11+$0x0], $0xffff;
	v30 =	vor.u32 v14, v20;
	[tilespmem:s1+$0xA000] =	vst v26  }
0x121: {  	v33 =	vmov s0;
	s0 =	sadd.s32 $0x100, s0;
	v31 =	vmax.f32 v31, v36;
	v26 =	vld.idx.msk [tilespmem:v32+s11+$0x0], $0xffff;
	v32 =	vor.u32 v15, v20  }
0x122: {  	_ =	sdelay $0x3  }
0x123: {  	v33 =	vshll.u32 v33, $0x1;
	v27 =	vld.idx.msk [tilespmem:v27+s11+$0x0], $0xffff;
	v34 =	vor.u32 v16, v20  }
0x124: {  	v28 =	vld.idx.msk [tilespmem:v28+s11+$0x0], $0xffff;
	v35 =	vor.u32 v17, v20;
	v33 =	vor.u32 v3, v33  }
0x125: {  	v29 =	vld.idx.msk [tilespmem:v29+s11+$0x0], $0xffff;
	v20 =	vor.u32 v18, v20;
	v33 =	vand.u32 $0x1F00, v33  }
0x126: {  	v30 =	vld.idx.msk [tilespmem:v30+s11+$0x0], $0xffff;
	v36 =	vor.u32 v1, v33  }
0x127: {  	v32 =	vld.idx.msk [tilespmem:v32+s11+$0x0], $0xffff;
	v37 =	vor.u32 v4, v33  }
0x128: {  	v38 =	vor.u32 v5, v33;
	v34 =	vld.idx.msk [tilespmem:v34+s11+$0x0], $0xffff  }
0x129: {  	v39 =	vor.u32 v6, v33;
	v35 =	vld.idx.msk [tilespmem:v35+s11+$0x0], $0xffff  }
0x12a: {  	v40 =	vor.u32 v7, v33;
	v20 =	vld.idx.msk [tilespmem:v20+s11+$0x0], $0xffff  }
0x12b: {  	v41 =	vor.u32 v8, v33;
	v36 =	vld.idx.msk [tilespmem:v36+s11+$0x0], $0xffff  }
0x12c: {  	v42 =	vor.u32 v9, v33;
	v37 =	vld.idx.msk [tilespmem:v37+s11+$0x0], $0xffff  }
0x12d: {  	v43 =	vor.u32 v10, v33;
	v38 =	vld.idx.msk [tilespmem:v38+s11+$0x0], $0xffff  }
0x12e: {  	v44 =	vor.u32 v11, v33;
	v39 =	vld.idx.msk [tilespmem:v39+s11+$0x0], $0xffff  }
0x12f: {  	v45 =	vor.u32 v12, v33;
	v40 =	vld.idx.msk [tilespmem:v40+s11+$0x0], $0xffff  }
0x130: {  	v46 =	vor.u32 v13, v33;
	v41 =	vld.idx.msk [tilespmem:v41+s11+$0x0], $0xffff;
	v36 =	vmax.f32 v36, $-1.000000000e+00  }
0x131: {  	v23 =	vmax.f32 v31, v23;
	v49 =	vor.u32 v14, v33;
	v48 =	vld.idx.msk [tilespmem:v42+s11+$0x0], $0xffff;
	v36 =	vmax.f32 v36, v37  }
0x132: {  	v21 =	vmax.f32 v23, v21;
	v51 =	vor.u32 v15, v33;
	v50 =	vld.idx.msk [tilespmem:v43+s11+$0x0], $0xffff;
	v36 =	vmax.f32 v36, v38  }
0x133: {  	v21 =	vmax.f32 v21, v22;
	v53 =	vor.u32 v16, v33;
	v52 =	vld.idx.msk [tilespmem:v44+s11+$0x0], $0xffff;
	v36 =	vmax.f32 v36, v39  }
0x134: {  	v21 =	vmax.f32 v21, v24;
	v55 =	vor.u32 v17, v33;
	v54 =	vld.idx.msk [tilespmem:v45+s11+$0x0], $0xffff;
	v36 =	vmax.f32 v36, v40  }
0x135: {  	v33 =	vor.u32 v18, v33;
	v21 =	vmax.f32 v21, v25;
	v57 =	vld.idx.msk [tilespmem:v46+s11+$0x0], $0xffff;
	v56 =	vmax.f32 v36, v41  }
0x136: {  	v21 =	vmax.f32 v21, v26;
	v58 =	vld.idx.msk [tilespmem:v49+s11+$0x0], $0xffff;
	v25 =	vmax.f32 v56, v48  }
0x137: {  	v21 =	vmax.f32 v21, v27;
	v59 =	vld.idx.msk [tilespmem:v51+s11+$0x0], $0xffff;
	v23 =	vmax.f32 v25, v50  }
0x138: {  	v21 =	vmax.f32 v21, v28;
	v60 =	vld.idx.msk [tilespmem:v53+s11+$0x0], $0xffff;
	v22 =	vmax.f32 v23, v52  }
0x139: {  	v21 =	vmax.f32 v21, v29;
	v61 =	vld.idx.msk [tilespmem:v55+s11+$0x0], $0xffff;
	v22 =	vmax.f32 v22, v54  }
0x13a: {  	v62 =	vld.idx.msk [tilespmem:v33+s11+$0x0], $0xffff;
	v21 =	vmax.f32 v21, v30;
	v22 =	vmax.f32 v22, v57  }
0x13b: {  	s0 =	sadd.s32 $0x10, s15;
	v21 =	vmax.f32 v21, v32;
	v22 =	vmax.f32 v22, v58  }
0x13c: {  	s1 =	sadd.s32 $0x20, s14;
	s10 =	sand.u32 $0x70, s0;
	v21 =	vmax.f32 v21, v34;
	v22 =	vmax.f32 v22, v59  }
0x13d: {  	s12 =	sand.u32 $0x100, s1;
	s1 =	sadd.s32 $0x20, s1;
	s0 =	sadd.s32 $0x10, s0;
	v21 =	vmax.f32 v21, v35;
	v22 =	vmax.f32 v22, v60  }
0x13e: {  	s10 =	sor.u32 s10, s12;
	s0 =	sand.u32 $0x70, s0;
	s1 =	sand.u32 $0x100, s1;
	v20 =	vmax.f32 v21, v20;
	v63 =	vmax.f32 v22, v61  }
0x13f: {  	s0 =	sor.u32 s0, s1;
	[tilespmem:s10+$0xA000] =	vst v20;
	v20 =	vmax.f32 v63, v62  }
0x140: {  	[tilespmem:s0+$0xA000] =	vst v20  }
.LBB2_10:
0x141: {  	v20 =	vld [tilespmem:$0xA000]  }
0x142: {  	v21 =	vld [tilespmem:$0xA010]  }
0x143: {  	v22 =	vld [tilespmem:$0xA020]  }
0x144: {  	v23 =	vld [tilespmem:$0xA030]  }
0x145: {  	v24 =	vld [tilespmem:$0xA040]  }
0x146: {  	v25 =	vld [tilespmem:$0xA050];
	v20 =	vmax.f32 v20, $-1.000000000e+00  }
0x147: {  	v20 =	vmax.f32 v20, v21;
	v21 =	vld [tilespmem:$0xA060]  }
0x148: {  	v20 =	vmax.f32 v20, v22;
	v22 =	vld [tilespmem:$0xA070]  }
0x149: {  	v20 =	vmax.f32 v20, v23;
	v23 =	vld [tilespmem:$0xA100]  }
0x14a: {  	v60 =	vld [tilespmem:$0xA110];
	v20 =	vmax.f32 v20, v24  }
0x14b: {  	v61 =	vld [tilespmem:$0xA120];
	v20 =	vmax.f32 v20, v25  }
0x14c: {  	v20 =	vmax.f32 v20, v21;
	v21 =	vld [tilespmem:$0xA130]  }
0x14d: {  	v20 =	vmax.f32 v20, v22;
	v22 =	vld [tilespmem:$0xA140]  }
0x14e: {  	v20 =	vmax.f32 v20, v23;
	v23 =	vld [tilespmem:$0xA150]  }
0x14f: {  	v62 =	vld [tilespmem:$0xA160];
	v20 =	vmax.f32 v20, v60  }
0x150: {  	v63 =	vld [tilespmem:$0xA170];
	v20 =	vmax.f32 v20, v61  }
0x151: {  	v20 =	vmax.f32 v20, v21  }
0x152: {  	v20 =	vmax.f32 v20, v22  }
0x153: {  	v20 =	vmax.f32 v20, v23  }
0x154: {  	v20 =	vmax.f32 v20, v62  }
0x155: {  	v20 =	vmax.f32 v20, v63  }
0x156: {  	(xrf0) =	vmax.scan.msk.f32 $0xffff, v20;
	_ =	sdelay $0x2  }
0x157: {  	s0 =	simm.s32 $0x0  }
0x158: {  	s1 =	sand.u32 $0x70, s0;
	s10 =	sand.u32 $0x100, s0  }
0x159: {  	s1 =	sor.u32 s1, s10  }
0x15a: {  	v22 =	vld [tilespmem:s1+$0xA000];
	v20, _, _ =	vpop (xrf0)  }
0x15b: {  	s14 =	simm.s32 $0x10;
	s15 =	simm.s32 $0x0;
	v21 =	vimm.s32 $0x100;
	v20 =	vbroadcast v20, $0xF  }
.LBB2_11:
0x15c: {  	s1 =	sand.u32 $0x70, s14  }
0x15d: {  	s0 =	sadd.s32 $0x20, s0;
	s10 =	smov.u32 s14;
	p0 =	sne.s32 s14, $0xF0  }
.Ltmp4:
0x15e: {  	s14 =	sadd.s32 $0x10, s14;
	s12 =	sand.u32 $0x100, s0;
	(pc) =	sbr.rel @p0 .LBB2_11-.Ltmp4, $4  }
0x15f: {  	v23 =	vor.u32 s15, v0;
	s15 =	smov.u32 s10;
	s1 =	sor.u32 s1, s12;
	vm0 =	veq.f32 v22, v20  }
0x160: {  	v22 =	vld [tilespmem:s1+$0xA000];
	v23 =	vnsel vm0, $0x100, v23  }
0x161: {  	vm0 =	vlt.s32 v21, v23  }
0x162: {  	v21 =	vsel vm0, v21, v23  }
0x163: {  	_ =	sdelay $0x1  }
0x164: {  	v58 =	vor.u32 s15, v0;
	vm0 =	veq.f32 v22, v20  }
0x165: {  	v22 =	vnsel vm0, $0x100, v58  }
0x166: {  	vm0 =	vlt.s32 v21, v22  }
0x167: {  	v21 =	vsel vm0, v21, v22  }
0x168: {  	v21 =	vxor.u32 $0x80000000, v21  }
0x169: {  	(xrf0) =	vmin.scan.msk.u32 $0xffff, v21;
	_ =	sdelay $0x5  }
0x16a: {  	v21, _, _ =	vpop (xrf0)  }
0x16b: {  	(v2sf) =	vpush v21, $0xF;
	_ =	sdelay $0xe  }
0x16c: {  	s0 =	spop (v2sf)  }
0x16d: {  	s1 =	sshll.u32 s0, $0x4;
	s10 =	sshll.u32 s0, $0x5  }
0x16e: {  	s1 =	sand.u32 $0x70, s1;
	s10 =	sand.u32 $0xFFFFFF00, s10  }
0x16f: {  	s1 =	sor.u32 s1, s10  }
0x170: {  	v59 =	vld [tilespmem:s1+$0x6000];
	_ =	sdelay $0x4  }
0x171: {  	vm13 =	veq.f32 v59, v20  }
0x172: {  	v60 =	vnsel vm13, $0x80000010, v19  }
0x173: {  	(xrf0) =	vmin.scan.msk.u32 $0xffff, v60;
	_ =	sdelay $0x5  }
0x174: {  	v22, _, _ =	vpop (xrf0)  }
0x175: {  	(v2sf) =	vpush v22, $0xF;
	_ =	sdelay $0xd  }
0x176: {  	s12 =	sxor.u32 $0x80000000, s0;
	p1 =	sgt.s32 s0, $0xFFFFFFFF;
	s0 =	sand.u32 $0xF, s0  }
0x177: {  	p0 =	slt.s32 s12, $0x1;
	s14 =	sshra.s32 s12, $0x1F;
	s28 =	spop (v2sf)  }
0x178: {  	p6 =	sne.s32 s0, $0x0;
	p0 =	por p1, p0;
	v61 =	vld [tilespmem:s1+$0x8000];
	s10 =	sxor.u32 $0x80000000, s28  }
0x179: {  	v24 =	vsub.f32 $1.000000000e+00, v20;
	s29 =	sshrl.u32 s14, $0x1C;
	p0 =	por !p6, !p0;
	v23 =	vmov s10  }
0x17a: {  	s0 =	sadd.s32 s29, s12;
	p0 =	por !p0, !p0;
	s10 =	simm.s32 $0x1;
	vm14 =	veq.s32 v23, v0  }
0x17b: {  	s0 =	sshra.s32 s0, $0x4;
	v20 =	vadd.f32 v24, v20;
	s10 =	simm.s32 @!p0 $0x0;
	v21 =	vsel vm14, $0xBF800000, v59  }
0x17c: {  	s0 =	ssub.s32 s0, s10;
	(xrf0) =	vmax.scan.msk.f32 $0xffff, v21  }
0x17d: {  	v20 =	vsel vm14, v20, v61;
	s10 =	sshll.u32 s0, $0x4;
	s0 =	sshll.u32 s0, $0x5  }
0x17e: {  	[tilespmem:s1+$0x8000] =	vst v20;
	s30 =	sand.u32 $0x70, s10;
	s0 =	sand.u32 $0xFFFFFF00, s0  }
0x17f: {  	[tilespmem:s1+$0x6000] =	vst v21;
	s0 =	sor.u32 s30, s0  }
0x180: {  	s16 =	sadd.s32 $0x1, s16;
	v20 =	vld [tilespmem:s0+$0xA000]  }
0x181: {  	p0 =	sne.s32 s16, $0x10  }
.Ltmp5:
0x182: {  	s31 =	ssub.s32 s12, s10;
	v62, _, _ =	vpop (xrf0);
	(pc) =	sbr.rel @p0 .LBB2_10-.Ltmp5, $4  }
0x183: {  	v63 =	vmov s31;
	v21 =	vbroadcast v62, $0xF  }
0x184: {  	vm15 =	veq.s32 v63, v0  }
0x185: {  	v20 =	vsel vm15, v21, v20  }
0x186: {  	s14 =	simm.s32 $0x0;
	[tilespmem:s0+$0xA000] =	vst v20  }
0x187: {  	v20 =	vmov s14  }
0x188: {  	v20 =	vshll.u32 v20, $0x1  }
0x189: {  	v20 =	vor.u32 v3, v20  }
0x18a: {  	v21 =	vor.u32 $0x80, v1;
	v36 =	vand.u32 $0x1F00, v20  }
0x18b: {  	v22 =	vor.u32 $0x81, v1;
	v20 =	vor.u32 v21, v36  }
0x18c: {  	v23 =	vor.u32 $0x82, v1;
	v28 =	vor.u32 v22, v36  }
0x18d: {  	v24 =	vor.u32 $0x83, v1;
	v29 =	vor.u32 v23, v36  }
0x18e: {  	v25 =	vor.u32 $0x84, v1;
	v30 =	vor.u32 v24, v36  }
0x18f: {  	v27 =	vor.u32 $0x86, v1;
	v32 =	vor.u32 v25, v36  }
0x190: {  	v31 =	vor.u32 $0x89, v1;
	v35 =	vor.u32 v27, v36;
	v33 =	vld.idx.msk [tilespmem:v20+s11+$0x0], $0xffff  }
0x191: {  	v26 =	vor.u32 $0x85, v1;
	v42 =	vor.u32 v31, v36;
	v34 =	vld.idx.msk [tilespmem:v28+s11+$0x0], $0xffff  }
0x192: {  	v20 =	vor.u32 v26, v36;
	v28 =	vor.u32 $0x87, v1;
	v37 =	vld.idx.msk [tilespmem:v29+s11+$0x0], $0xffff  }
0x193: {  	s0 =	sadd.s32 $0x100, s14;
	v29 =	vor.u32 $0x88, v1;
	v39 =	vld.idx.msk [tilespmem:v30+s11+$0x0], $0xffff;
	v38 =	vor.u32 v28, v36  }
0x194: {  	v49 =	vmov s0;
	v30 =	vor.u32 $0x8A, v1;
	v41 =	vld.idx.msk [tilespmem:v32+s11+$0x0], $0xffff;
	v40 =	vor.u32 v29, v36  }
0x195: {  	v49 =	vshll.u32 v49, $0x1;
	v32 =	vor.u32 $0x8B, v1;
	v46 =	vld.idx.msk [tilespmem:v35+s11+$0x0], $0xffff;
	v43 =	vor.u32 v30, v36  }
0x196: {  	v42 =	vld.idx.msk [tilespmem:v42+s11+$0x0], $0xffff;
	v47 =	vor.u32 v32, v36;
	v45 =	vmax.f32 v33, $-1.000000000e+00;
	v33 =	vor.u32 $0x8C, v1  }
0x197: {  	v49 =	vor.u32 v3, v49;
	v44 =	vld.idx.msk [tilespmem:v20+s11+$0x0], $0xffff;
	v20 =	vor.u32 $0x8F, v1;
	v48 =	vor.u32 v33, v36  }
0x198: {  	v45 =	vmax.f32 v45, v34;
	v38 =	vld.idx.msk [tilespmem:v38+s11+$0x0], $0xffff;
	v34 =	vor.u32 $0x8D, v1;
	v60 =	vor.u32 v20, v36  }
0x199: {  	v35 =	vor.u32 $0x8E, v1;
	v40 =	vld.idx.msk [tilespmem:v40+s11+$0x0], $0xffff;
	v50 =	vor.u32 v34, v36;
	v37 =	vmax.f32 v45, v37  }
0x19a: {  	v58 =	vor.u32 v35, v36;
	v59 =	vld.idx.msk [tilespmem:v43+s11+$0x0], $0xffff;
	v36 =	vand.u32 $0x1F00, v49;
	v37 =	vmax.f32 v37, v39  }
0x19b: {  	v61 =	vld.idx.msk [tilespmem:v47+s11+$0x0], $0xffff;
	v62 =	vor.u32 v21, v36;
	v37 =	vmax.f32 v37, v41  }
0x19c: {  	v52 =	vor.u32 v22, v36;
	v37 =	vmax.f32 v37, v44;
	v63 =	vld.idx.msk [tilespmem:v48+s11+$0x0], $0xffff  }
0x19d: {  	v49 =	vor.u32 v23, v36;
	v37 =	vmax.f32 v37, v46;
	v43 =	vld.idx.msk [tilespmem:v60+s11+$0x0], $0xffff  }
0x19e: {  	v54 =	vor.u32 v24, v36;
	v53 =	vld.idx.msk [tilespmem:v50+s11+$0x0], $0xffff;
	v37 =	vmax.f32 v37, v38  }
0x19f: {  	v55 =	vor.u32 v25, v36;
	v38 =	vld.idx.msk [tilespmem:v58+s11+$0x0], $0xffff;
	v37 =	vmax.f32 v37, v40  }
0x1a0: {  	v57 =	vor.u32 v26, v36;
	v56 =	vld.idx.msk [tilespmem:v62+s11+$0x0], $0xffff;
	v37 =	vmax.f32 v37, v42  }
0x1a1: {  	v58 =	vld.idx.msk [tilespmem:v52+s11+$0x0], $0xffff;
	v37 =	vmax.f32 v37, v59;
	v59 =	vor.u32 v27, v36  }
0x1a2: {  	v60 =	vld.idx.msk [tilespmem:v49+s11+$0x0], $0xffff;
	v37 =	vmax.f32 v37, v61;
	v61 =	vor.u32 v28, v36  }
0x1a3: {  	v51 =	vor.u32 v31, v36;
	v62 =	vld.idx.msk [tilespmem:v54+s11+$0x0], $0xffff;
	v37 =	vmax.f32 v37, v63  }
0x1a4: {  	v40 =	vld.idx.msk [tilespmem:v55+s11+$0x0], $0xffff;
	v63 =	vor.u32 v29, v36;
	v37 =	vmax.f32 v37, v53  }
0x1a5: {  	v45 =	vor.u32 v30, v36;
	v42 =	vmax.f32 v56, $-1.000000000e+00;
	v37 =	vmax.f32 v37, v38;
	v38 =	vld.idx.msk [tilespmem:v57+s11+$0x0], $0xffff  }
0x1a6: {  	v42 =	vmax.f32 v42, v58;
	v52 =	vmax.f32 v37, v43;
	v37 =	vld.idx.msk [tilespmem:v59+s11+$0x0], $0xffff;
	v43 =	vor.u32 v32, v36  }
0x1a7: {  	s1 =	sand.u32 $0x70, s14;
	s10 =	sand.u32 $0x100, s14;
	v46 =	vor.u32 v33, v36;
	v42 =	vmax.f32 v42, v60;
	v39 =	vld.idx.msk [tilespmem:v61+s11+$0x0], $0xffff  }
0x1a8: {  	s0 =	sadd.s32 $0x100, s0;
	s1 =	sor.u32 s1, s10;
	v47 =	vor.u32 v34, v36;
	v44 =	vmax.f32 v42, v62;
	v42 =	vld.idx.msk [tilespmem:v51+s11+$0x0], $0xffff  }
0x1a9: {  	s15 =	simm.s32 $0x0;
	s16 =	simm.s32 $0x0;
	v48 =	vor.u32 v35, v36;
	v49 =	vmov s0;
	s0 =	sadd.s32 $0x100, s0;
	[tilespmem:s1+$0xA080] =	vst v52;
	v41 =	vld.idx.msk [tilespmem:v63+s11+$0x0], $0xffff  }
.LBB2_14:
0x1aa: {  	p0 =	sne.s32 s0, $0xF00;
	v49 =	vshll.u32 v49, $0x1;
	v40 =	vmax.f32 v44, v40;
	v44 =	vld.idx.msk [tilespmem:v45+s11+$0x0], $0xffff;
	v45 =	vor.u32 v20, v36  }
0x1ab: {  	v36 =	vor.u32 v3, v49;
	v38 =	vmax.f32 v40, v38;
	v40 =	vld.idx.msk [tilespmem:v43+s11+$0x0], $0xffff  }
0x1ac: {  	v36 =	vand.u32 $0x1F00, v36;
	v37 =	vmax.f32 v38, v37;
	v38 =	vld.idx.msk [tilespmem:v46+s11+$0x0], $0xffff  }
0x1ad: {  	v43 =	vor.u32 v21, v36;
	v37 =	vmax.f32 v37, v39;
	v39 =	vld.idx.msk [tilespmem:v47+s11+$0x0], $0xffff  }
0x1ae: {  	v46 =	vor.u32 v22, v36;
	v37 =	vmax.f32 v37, v41;
	v41 =	vld.idx.msk [tilespmem:v48+s11+$0x0], $0xffff  }
0x1af: {  	v47 =	vor.u32 v23, v36;
	v37 =	vmax.f32 v37, v42;
	v42 =	vld.idx.msk [tilespmem:v45+s11+$0x0], $0xffff  }
0x1b0: {  	v45 =	vor.u32 v24, v36;
	v37 =	vmax.f32 v37, v44  }
0x1b1: {  	v44 =	vor.u32 v25, v36;
	v37 =	vmax.f32 v37, v40  }
0x1b2: {  	v48 =	vor.u32 v26, v36;
	v43 =	vld.idx.msk [tilespmem:v43+s11+$0x0], $0xffff;
	v37 =	vmax.f32 v37, v38  }
0x1b3: {  	s15 =	sadd.s32 $0x20, s15;
	s16 =	sadd.s32 $0x10, s16;
	v49 =	vor.u32 v27, v36;
	v46 =	vld.idx.msk [tilespmem:v46+s11+$0x0], $0xffff;
	v37 =	vmax.f32 v37, v39  }
0x1b4: {  	s1 =	sand.u32 $0x70, s16;
	s10 =	sand.u32 $0x100, s15;
	v39 =	vor.u32 v28, v36;
	v47 =	vld.idx.msk [tilespmem:v47+s11+$0x0], $0xffff;
	v37 =	vmax.f32 v37, v41  }
0x1b5: {  	s1 =	sor.u32 s1, s10;
	v41 =	vor.u32 v29, v36;
	v50 =	vld.idx.msk [tilespmem:v45+s11+$0x0], $0xffff;
	v37 =	vmax.f32 v37, v42  }
0x1b6: {  	v42 =	vor.u32 v31, v36;
	v40 =	vld.idx.msk [tilespmem:v44+s11+$0x0], $0xffff;
	[tilespmem:s1+$0xA080] =	vst v37  }
.Ltmp6:
0x1b7: {  	v45 =	vor.u32 v30, v36;
	v38 =	vld.idx.msk [tilespmem:v48+s11+$0x0], $0xffff;
	(pc) =	sbr.rel @p0 .LBB2_14-.Ltmp6, $4  }
0x1b8: {  	v44 =	vmax.f32 v43, $-1.000000000e+00;
	v43 =	vor.u32 v32, v36;
	v37 =	vld.idx.msk [tilespmem:v49+s11+$0x0], $0xffff  }
0x1b9: {  	v44 =	vmax.f32 v44, v46;
	v46 =	vor.u32 v33, v36;
	v39 =	vld.idx.msk [tilespmem:v39+s11+$0x0], $0xffff  }
0x1ba: {  	v44 =	vmax.f32 v44, v47;
	v47 =	vor.u32 v34, v36;
	v41 =	vld.idx.msk [tilespmem:v41+s11+$0x0], $0xffff  }
0x1bb: {  	v48 =	vor.u32 v35, v36;
	v49 =	vmov s0;
	s0 =	sadd.s32 $0x100, s0;
	v44 =	vmax.f32 v44, v50;
	v42 =	vld.idx.msk [tilespmem:v42+s11+$0x0], $0xffff  }
0x1bc: {  	_ =	sdelay $0x1  }
0x1bd: {  	v49 =	vshll.u32 v49, $0x1  }
0x1be: {  	v49 =	vor.u32 v3, v49  }
0x1bf: {  	v45 =	vld.idx.msk [tilespmem:v45+s11+$0x0], $0xffff;
	v36 =	vor.u32 v20, v36;
	v49 =	vand.u32 $0x1F00, v49  }
0x1c0: {  	v43 =	vld.idx.msk [tilespmem:v43+s11+$0x0], $0xffff;
	v21 =	vor.u32 v21, v49  }
0x1c1: {  	v46 =	vld.idx.msk [tilespmem:v46+s11+$0x0], $0xffff;
	v22 =	vor.u32 v22, v49  }
0x1c2: {  	v47 =	vld.idx.msk [tilespmem:v47+s11+$0x0], $0xffff;
	v23 =	vor.u32 v23, v49  }
0x1c3: {  	v48 =	vld.idx.msk [tilespmem:v48+s11+$0x0], $0xffff;
	v24 =	vor.u32 v24, v49  }
0x1c4: {  	v25 =	vor.u32 v25, v49;
	v36 =	vld.idx.msk [tilespmem:v36+s11+$0x0], $0xffff  }
0x1c5: {  	v26 =	vor.u32 v26, v49;
	v21 =	vld.idx.msk [tilespmem:v21+s11+$0x0], $0xffff  }
0x1c6: {  	v27 =	vor.u32 v27, v49;
	v22 =	vld.idx.msk [tilespmem:v22+s11+$0x0], $0xffff  }
0x1c7: {  	v28 =	vor.u32 v28, v49;
	v23 =	vld.idx.msk [tilespmem:v23+s11+$0x0], $0xffff  }
0x1c8: {  	v29 =	vor.u32 v29, v49;
	v24 =	vld.idx.msk [tilespmem:v24+s11+$0x0], $0xffff  }
0x1c9: {  	v31 =	vor.u32 v31, v49;
	v25 =	vld.idx.msk [tilespmem:v25+s11+$0x0], $0xffff  }
0x1ca: {  	v30 =	vor.u32 v30, v49;
	v26 =	vld.idx.msk [tilespmem:v26+s11+$0x0], $0xffff;
	v21 =	vmax.f32 v21, $-1.000000000e+00  }
0x1cb: {  	v32 =	vor.u32 v32, v49;
	v27 =	vld.idx.msk [tilespmem:v27+s11+$0x0], $0xffff;
	v21 =	vmax.f32 v21, v22  }
0x1cc: {  	v53 =	vor.u32 v33, v49;
	v52 =	vld.idx.msk [tilespmem:v28+s11+$0x0], $0xffff;
	v21 =	vmax.f32 v21, v23  }
0x1cd: {  	v54 =	vmax.f32 v44, v40;
	v55 =	vor.u32 v34, v49;
	v29 =	vld.idx.msk [tilespmem:v29+s11+$0x0], $0xffff;
	v21 =	vmax.f32 v21, v24  }
0x1ce: {  	v57 =	vor.u32 v35, v49;
	v56 =	vld.idx.msk [tilespmem:v31+s11+$0x0], $0xffff;
	v23 =	vmax.f32 v54, v38;
	v21 =	vmax.f32 v21, v25  }
0x1cf: {  	v20 =	vor.u32 v20, v49;
	v58 =	vld.idx.msk [tilespmem:v30+s11+$0x0], $0xffff;
	v23 =	vmax.f32 v23, v37;
	v21 =	vmax.f32 v21, v26  }
0x1d0: {  	v59 =	vld.idx.msk [tilespmem:v32+s11+$0x0], $0xffff;
	v23 =	vmax.f32 v23, v39;
	v21 =	vmax.f32 v21, v27  }
0x1d1: {  	v60 =	vld.idx.msk [tilespmem:v53+s11+$0x0], $0xffff;
	v23 =	vmax.f32 v23, v41;
	v21 =	vmax.f32 v21, v52  }
0x1d2: {  	v62 =	vld.idx.msk [tilespmem:v55+s11+$0x0], $0xffff;
	v61 =	vmax.f32 v23, v42;
	v21 =	vmax.f32 v21, v29  }
0x1d3: {  	v63 =	vld.idx.msk [tilespmem:v57+s11+$0x0], $0xffff;
	v22 =	vmax.f32 v61, v45;
	v21 =	vmax.f32 v21, v56  }
0x1d4: {  	v20 =	vld.idx.msk [tilespmem:v20+s11+$0x0], $0xffff;
	v22 =	vmax.f32 v22, v43;
	v21 =	vmax.f32 v21, v58  }
0x1d5: {  	s0 =	sadd.s32 $0x10, s16;
	v22 =	vmax.f32 v22, v46;
	v21 =	vmax.f32 v21, v59  }
0x1d6: {  	s1 =	sadd.s32 $0x20, s15;
	s10 =	sand.u32 $0x70, s0;
	v22 =	vmax.f32 v22, v47;
	v21 =	vmax.f32 v21, v60  }
0x1d7: {  	s12 =	sand.u32 $0x100, s1;
	s1 =	sadd.s32 $0x20, s1;
	s0 =	sadd.s32 $0x10, s0;
	v22 =	vmax.f32 v22, v48;
	v21 =	vmax.f32 v21, v62  }
0x1d8: {  	s10 =	sor.u32 s10, s12;
	s0 =	sand.u32 $0x70, s0;
	s1 =	sand.u32 $0x100, s1;
	v22 =	vmax.f32 v22, v36;
	v21 =	vmax.f32 v21, v63  }
0x1d9: {  	s0 =	sor.u32 s0, s1;
	[tilespmem:s10+$0xA080] =	vst v22;
	v20 =	vmax.f32 v21, v20  }
0x1da: {  	[tilespmem:s0+$0xA080] =	vst v20  }
.LBB2_16:
0x1db: {  	v20 =	vld [tilespmem:$0xA080]  }
0x1dc: {  	v21 =	vld [tilespmem:$0xA090]  }
0x1dd: {  	v22 =	vld [tilespmem:$0xA0A0]  }
0x1de: {  	v23 =	vld [tilespmem:$0xA0B0]  }
0x1df: {  	v24 =	vld [tilespmem:$0xA0C0]  }
0x1e0: {  	v25 =	vld [tilespmem:$0xA0D0];
	v20 =	vmax.f32 v20, $-1.000000000e+00  }
0x1e1: {  	v20 =	vmax.f32 v20, v21;
	v21 =	vld [tilespmem:$0xA0E0]  }
0x1e2: {  	v20 =	vmax.f32 v20, v22;
	v22 =	vld [tilespmem:$0xA0F0]  }
0x1e3: {  	v20 =	vmax.f32 v20, v23;
	v23 =	vld [tilespmem:$0xA180]  }
0x1e4: {  	v60 =	vld [tilespmem:$0xA190];
	v20 =	vmax.f32 v20, v24  }
0x1e5: {  	v61 =	vld [tilespmem:$0xA1A0];
	v20 =	vmax.f32 v20, v25  }
0x1e6: {  	v20 =	vmax.f32 v20, v21;
	v21 =	vld [tilespmem:$0xA1B0]  }
0x1e7: {  	v20 =	vmax.f32 v20, v22;
	v22 =	vld [tilespmem:$0xA1C0]  }
0x1e8: {  	v20 =	vmax.f32 v20, v23;
	v23 =	vld [tilespmem:$0xA1D0]  }
0x1e9: {  	v62 =	vld [tilespmem:$0xA1E0];
	v20 =	vmax.f32 v20, v60  }
0x1ea: {  	v63 =	vld [tilespmem:$0xA1F0];
	v20 =	vmax.f32 v20, v61  }
0x1eb: {  	v20 =	vmax.f32 v20, v21  }
0x1ec: {  	v20 =	vmax.f32 v20, v22  }
0x1ed: {  	v20 =	vmax.f32 v20, v23  }
0x1ee: {  	v20 =	vmax.f32 v20, v62  }
0x1ef: {  	v20 =	vmax.f32 v20, v63  }
0x1f0: {  	(xrf0) =	vmax.scan.msk.f32 $0xffff, v20;
	_ =	sdelay $0x2  }
0x1f1: {  	s0 =	simm.s32 $0x0  }
0x1f2: {  	s1 =	sand.u32 $0x70, s0;
	s10 =	sand.u32 $0x100, s0  }
0x1f3: {  	s1 =	sor.u32 s1, s10  }
0x1f4: {  	v22 =	vld [tilespmem:s1+$0xA080];
	v20, _, _ =	vpop (xrf0)  }
0x1f5: {  	s15 =	simm.s32 $0x10;
	s16 =	simm.s32 $0x0;
	v21 =	vimm.s32 $0x100;
	v20 =	vbroadcast v20, $0xF  }
.LBB2_17:
0x1f6: {  	s1 =	sand.u32 $0x70, s15  }
0x1f7: {  	s0 =	sadd.s32 $0x20, s0;
	s10 =	smov.u32 s15;
	p0 =	sne.s32 s15, $0xF0  }
.Ltmp7:
0x1f8: {  	s15 =	sadd.s32 $0x10, s15;
	s12 =	sand.u32 $0x100, s0;
	(pc) =	sbr.rel @p0 .LBB2_17-.Ltmp7, $4  }
0x1f9: {  	v23 =	vor.u32 s16, v0;
	s16 =	smov.u32 s10;
	s1 =	sor.u32 s1, s12;
	vm0 =	veq.f32 v22, v20  }
0x1fa: {  	v22 =	vld [tilespmem:s1+$0xA080];
	v23 =	vnsel vm0, $0x100, v23  }
0x1fb: {  	vm0 =	vlt.s32 v21, v23  }
0x1fc: {  	v21 =	vsel vm0, v21, v23  }
0x1fd: {  	_ =	sdelay $0x1  }
0x1fe: {  	v58 =	vor.u32 s16, v0;
	vm0 =	veq.f32 v22, v20  }
0x1ff: {  	v22 =	vnsel vm0, $0x100, v58  }
0x200: {  	vm0 =	vlt.s32 v21, v22  }
0x201: {  	v21 =	vsel vm0, v21, v22  }
0x202: {  	v21 =	vxor.u32 $0x80000000, v21  }
0x203: {  	(xrf0) =	vmin.scan.msk.u32 $0xffff, v21;
	_ =	sdelay $0x5  }
0x204: {  	v21, _, _ =	vpop (xrf0)  }
0x205: {  	(v2sf) =	vpush v21, $0xF;
	_ =	sdelay $0xe  }
0x206: {  	s0 =	spop (v2sf)  }
0x207: {  	s1 =	sshll.u32 s0, $0x4;
	s10 =	sshll.u32 s0, $0x5  }
0x208: {  	s1 =	sand.u32 $0x70, s1;
	s10 =	sand.u32 $0xFFFFFF00, s10  }
0x209: {  	s1 =	sor.u32 s10, s1  }
0x20a: {  	v59 =	vld [tilespmem:s1+$0x6080];
	_ =	sdelay $0x4  }
0x20b: {  	vm13 =	veq.f32 v59, v20  }
0x20c: {  	v60 =	vnsel vm13, $0x80000010, v19  }
0x20d: {  	(xrf0) =	vmin.scan.msk.u32 $0xffff, v60;
	_ =	sdelay $0x5  }
0x20e: {  	v22, _, _ =	vpop (xrf0)  }
0x20f: {  	(v2sf) =	vpush v22, $0xF;
	_ =	sdelay $0xd  }
0x210: {  	s12 =	sxor.u32 $0x80000000, s0;
	p1 =	sgt.s32 s0, $0xFFFFFFFF;
	s0 =	sand.u32 $0xF, s0  }
0x211: {  	p0 =	slt.s32 s12, $0x1;
	s15 =	sshra.s32 s12, $0x1F;
	s28 =	spop (v2sf)  }
0x212: {  	p6 =	sne.s32 s0, $0x0;
	p0 =	por p1, p0;
	v61 =	vld [tilespmem:s1+$0x8080];
	s10 =	sxor.u32 $0x80000000, s28  }
0x213: {  	v24 =	vsub.f32 $1.000000000e+00, v20;
	s29 =	sshrl.u32 s15, $0x1C;
	p0 =	por !p6, !p0;
	v23 =	vmov s10  }
0x214: {  	s0 =	sadd.s32 s29, s12;
	p0 =	por !p0, !p0;
	s10 =	simm.s32 $0x1;
	vm14 =	veq.s32 v23, v0  }
0x215: {  	s0 =	sshra.s32 s0, $0x4;
	v20 =	vadd.f32 v24, v20;
	s10 =	simm.s32 @!p0 $0x0;
	v21 =	vsel vm14, $0xBF800000, v59  }
0x216: {  	s0 =	ssub.s32 s0, s10;
	(xrf0) =	vmax.scan.msk.f32 $0xffff, v21  }
0x217: {  	v20 =	vsel vm14, v20, v61;
	s10 =	sshll.u32 s0, $0x4;
	s0 =	sshll.u32 s0, $0x5  }
0x218: {  	[tilespmem:s1+$0x8080] =	vst v20;
	s30 =	sand.u32 $0x70, s10;
	s0 =	sand.u32 $0xFFFFFF00, s0  }
0x219: {  	[tilespmem:s1+$0x6080] =	vst v21;
	s0 =	sor.u32 s30, s0  }
0x21a: {  	s14 =	sadd.s32 $0x1, s14;
	v20 =	vld [tilespmem:s0+$0xA080]  }
0x21b: {  	p0 =	sne.s32 s14, $0x10  }
.Ltmp8:
0x21c: {  	s31 =	ssub.s32 s12, s10;
	v62, _, _ =	vpop (xrf0);
	(pc) =	sbr.rel @p0 .LBB2_16-.Ltmp8, $4  }
0x21d: {  	v63 =	vmov s31;
	v21 =	vbroadcast v62, $0xF  }
0x21e: {  	vm15 =	veq.s32 v63, v0  }
0x21f: {  	v20 =	vsel vm15, v21, v20  }
0x220: {  	[tilespmem:s0+$0xA080] =	vst v20  }
0x221: {  	s13 =	sadd.s32 $0x1, s13  }
0x222: {  	p0 =	sne.s32 s13, s6  }
.Ltmp9:
0x223: {  	s0 =	simm.s32 $0x8000;
	(pc) =	sbr.rel @p0 .LBB2_1-.Ltmp9, $4  }
0x224: {  	[hbm4b:s5+s7] =	stream.strided.scatter [tilespmem:s0], [sflag:$0x1], $0x2000, s8, s7, $0x38;
	[tilespmem:$0xA200] =	vst v63  }
0x225: {  	_ =	swait.ge [sflag:s9], $0x2000  }
0x226: {  	[sflag:s9] =	ssyncset.done $0x0  }
0x227: {  	[sflag:s9] =	ssyncadd.s32 $0xFFFFE000  }
0x228: {  	_ =	sfence.sel $0x180000  }
0x229: {  	[bflag:$0x0] =	sbarrier.arrive $0xFFFF  }
0x22a: {  	_ =	strace $0x90000047  }
0x22b: {  	s0 =	stileid.u32;
	[bflag:$0x2] =	sbarrier.arrive $0xFFFF  }
0x22c: {  	p0 =	sne.s32 s0, $0x0;
	s0 =	rddreg [dreg:$0x3]  }
0x22d: {  	s0 =	sadd.s32 @!p0 $0x100000, s0  }
0x22e: {  	[sflag:s0] =	ssyncadd.tile.s32 @!p0 $0x1;
	_ =	shalt  }
.Lfunc_end2:
_tile_overlayer_lowered:
.L_overlay_start_2:
0x22f: {  	(tag) =	ssettag $0x2  }
0x230: {  	s0 =	rddreg [dreg:$0x0];
	s2 =	stileid.u32  }
0x231: {  	s1 =	rddreg [dreg:$0x1];
	p0 =	sne.s32 s2, $0x0  }
0x232: {  	s3 =	rddreg [dreg:$0x2];
	[bflag:$0x3] =	sbarrier.arrive $0xFFFF;
	s2 =	simm.s32 @!p0 $0x1C01  }
0x233: {  	[timem:s3], [sflag:s2] =	dma.local @!p0 [hbm:s0], s1  }
0x234: {  	s0 =	simm.s32 @!p0 $0x1  }
0x235: {  	_ =	swait.ge @!p0 [sflag:s0], s1  }
0x236: {  	s1 =	ssub.s32 @!p0 $0x0, s1;
	[sflag:s0] =	ssyncset.done @!p0 $0x0  }
0x237: {  	[sflag:s0] =	ssyncadd.s32 @!p0 s1  }
0x238: {  	[bflag:$0x3] =	sbarrier.arrive $0xFFFF  }
0x239: {  	_ =	shalt  }

</sc_bundles>
